<compile_context>
chip_gen: v7x
topology: tpu7x:2x2x1
jax: 0.10.2.dev20260603
libtpu: 0.0.44.dev20260713+nightly
codegen_flags: <defaults>
</compile_context>

<pallas_src>
import functools

import jax
import jax.numpy as jnp
from jax import lax
from jax.experimental import pallas as pl
from jax.experimental.pallas import tpu as pltpu
from jax.experimental.pallas import tpu_sc as plsc

_B, _S, _D = 4, 8192, 1024
_L = 16
_W = 128
_DW = _D // _W
_NC, _NS = 2, 16
_NW = _NC * _NS
_SEQ_W = _S // _NW
_C = 8
_NCH = _SEQ_W // _C
_R = _C * _DW
_NSLOT = 3

_mesh = plsc.VectorSubcoreMesh(core_axis_name="c", subcore_axis_name="s")


@functools.partial(
    pl.kernel,
    mesh=_mesh,
    out_type=jax.ShapeDtypeStruct((_B, _S * _DW, _W), jnp.float32),
    scratch_types=[
        pltpu.VMEM((_NSLOT, _R, _W), jnp.float32),
        pltpu.VMEM((_NSLOT, _B, _R, _W), jnp.float32),
        pltpu.SemaphoreType.DMA,
        pltpu.SemaphoreType.DMA,
        pltpu.SemaphoreType.DMA,
    ],
)
def _sc_add(x_hbm, emb_hbm, out_hbm, ebuf, xbuf, esem, xsem, osem):
    wid = lax.axis_index("s") * _NC + lax.axis_index("c")
    seq0 = wid * _SEQ_W

    def e_off(k):
        return (seq0 + k * _C) * _DW

    def start_in(k):
        e0 = e_off(k)
        s = lax.rem(k, _NSLOT)
        pltpu.make_async_copy(
            emb_hbm.at[pl.ds(e0, _R)], ebuf.at[lax.rem(k, _NSLOT)], esem
        ).start()
        pltpu.make_async_copy(
            x_hbm.at[:, pl.ds(e0, _R)], xbuf.at[s], xsem
        ).start()

    def wait_in(k):
        s = lax.rem(k, _NSLOT)
        pltpu.make_async_copy(
            emb_hbm.at[pl.ds(e_off(k), _R)], ebuf.at[lax.rem(k, _NSLOT)], esem
        ).wait()
        pltpu.make_async_copy(
            x_hbm.at[:, pl.ds(e_off(k), _R)], xbuf.at[s], xsem
        ).wait()

    def start_out(k):
        e0 = e_off(k)
        s = lax.rem(k, _NSLOT)
        pltpu.make_async_copy(
            xbuf.at[s], out_hbm.at[:, pl.ds(e0, _R)], osem
        ).start()

    def wait_out_chunk():
        pltpu.make_async_copy(
            xbuf.at[0], out_hbm.at[:, pl.ds(0, _R)], osem
        ).wait()

    def compute(k):
        s = lax.rem(k, _NSLOT)
        es = lax.rem(k, _NSLOT)

        @plsc.parallel_loop(0, _R, 1, unroll=4)
        def _(i):
            for g in range(_W // _L):
                sl = pl.ds(g * _L, _L)
                e = ebuf[es, i, sl]
                for b in range(_B):
                    xbuf[s, b, i, sl] = xbuf[s, b, i, sl] + e

    start_in(0)
    start_in(1)

    def body(k, carry):
        wait_in(k)
        compute(k)
        start_out(k)

        @pl.when(k >= 1)
        def _():
            wait_out_chunk()

        @pl.when(k + 2 < _NCH)
        def _():
            start_in(k + 2)

        return carry

    lax.fori_loop(0, _NCH, body, 0)
    wait_out_chunk()


def kernel(x, emb_weight):
    b, s, d = x.shape
    x2 = x.reshape(b, s * (d // _W), _W)
    e2 = emb_weight.reshape(s * (d // _W), _W)
    out = _sc_add(x2, e2)
    return out.reshape(b, s, d)

# --- scband reference (transcript-rebuilt; emitter-appended) ---
"""Pipeline reference for scband-learned-positional-embedding-73478300500533 (READ-ONLY COPY).

The authoritative reference and input builder live on the scoring server;
editing this copy changes nothing except your own understanding.
"""

import jax, jax.numpy as jnp
import numpy as np

MAX_SEQ_LEN = 8192
DIM = 1024

def setup_inputs(seed: int = 0) -> dict:
    key = jax.random.key(seed)
    k1, k2 = jax.random.split(key)
    x = jax.random.normal(k1, (4, 8192, 1024), dtype=jnp.float32)
    emb_weight = jax.random.normal(k2, (MAX_SEQ_LEN, DIM), dtype=jnp.float32) * 0.02
    return {"x": x, "emb_weight": emb_weight}

def reference(x, emb_weight):
    seq_len = x.shape[1]
    positions = jnp.arange(seq_len)
    pos_emb = jnp.take(emb_weight, positions, axis=0)  # [S, d]
    return x + pos_emb[None, :, :]

if __name__ == "__main__":
    import jax
    _d = setup_inputs()
    print(jax.jit(kernel)(*tuple(_d.values())))

</pallas_src>

<mosaic_0001>
#map = affine_map<(d0, d1) -> (0, 0, 0)>
#map1 = affine_map<(d0, d1) -> (0, 0)>
module attributes {stable_mosaic.version = 14 : i64} {
  func.func @_sc_add(%arg0: i32, %arg1: i32, %arg2: memref<4x65536x128xf32, #tpu.memory_space<hbm>>, %arg3: memref<65536x128xf32, #tpu.memory_space<hbm>>, %arg4: memref<4x65536x128xf32, #tpu.memory_space<hbm>>, %arg5: memref<3x64x128xf32, #tpu.memory_space<vmem>>, %arg6: memref<3x4x64x128xf32, #tpu.memory_space<vmem>>, %arg7: memref<!tpu.dma_semaphore, #tpu.memory_space<semaphore_mem>>, %arg8: memref<!tpu.dma_semaphore, #tpu.memory_space<semaphore_mem>>, %arg9: memref<!tpu.dma_semaphore, #tpu.memory_space<semaphore_mem>>) attributes {dimension_semantics = [#tpu.dimension_semantics<core_parallel>, #tpu.dimension_semantics<subcore_parallel>], iteration_bounds = array<i64: 2, 16>, scalar_prefetch = 0 : i64, scratch_operands = 5 : i64, tpu.core_type = #tpu.core_type<sc_vector_subcore>, window_params = [{transform_indices = #map}, {transform_indices = #map1}, {transform_indices = #map}]} {
    %mul3A = arith.constant 2 : i32
    %mul3A_0 = arith.muli %arg1, %mul3A : i32
    %add3A = arith.addi %mul3A_0, %arg0 : i32
    %mul3A_1 = arith.constant 256 : i32
    %mul3A_2 = arith.muli %add3A, %mul3A_1 : i32
    %add3A_3 = arith.constant 0 : i32
    %add3A_4 = arith.addi %mul3A_2, %add3A_3 : i32
    %mul3A_5 = arith.constant 8 : i32
    %mul3A_6 = arith.muli %add3A_4, %mul3A_5 : i32
    %rem3A = arith.constant 0 : i32
    %rem3A_7 = arith.constant 3 : i32
    %rem3A_8 = arith.remsi %rem3A, %rem3A_7 : i32
    %rem3A_9 = arith.constant 0 : i32
    %rem3A_10 = arith.constant 3 : i32
    %rem3A_11 = arith.remsi %rem3A_9, %rem3A_10 : i32
    %dma_start3A = arith.constant 0 : i32
    %dma_start3A_12 = arith.constant 0 : i32
    %dma_start3A_13 = tpu.memref_slice %arg5[%rem3A_11, %dma_start3A, %dma_start3A_12] : memref<3x64x128xf32, #tpu.memory_space<vmem>> -> memref<1x64x128xf32, #tpu.memory_space<vmem>>
    %dma_start3A_14 = tpu.memref_squeeze %dma_start3A_13 : memref<1x64x128xf32, #tpu.memory_space<vmem>> -> memref<64x128xf32, #tpu.memory_space<vmem>>
    %dma_start3A_15 = arith.constant 0 : i32
    %dma_start3A_16 = tpu.memref_slice %arg3[%mul3A_6, %dma_start3A_15] : memref<65536x128xf32, #tpu.memory_space<hbm>> -> memref<64x128xf32, #tpu.memory_space<hbm>>
    %dma_start3A_17 = arith.constant 0 : i32
    %dma_start3A_18 = arith.constant 0 : i32
    %dma_start3A_19 = tpu.memref_slice %arg5[%rem3A_11, %dma_start3A_17, %dma_start3A_18] : memref<3x64x128xf32, #tpu.memory_space<vmem>> -> memref<1x64x128xf32, #tpu.memory_space<vmem>>
    %dma_start3A_20 = tpu.memref_squeeze %dma_start3A_19 : memref<1x64x128xf32, #tpu.memory_space<vmem>> -> memref<64x128xf32, #tpu.memory_space<vmem>>
    %dma_start3A_21 = arith.constant 0 : i32
    %dma_start3A_22 = tpu.memref_slice %arg3[%mul3A_6, %dma_start3A_21] : memref<65536x128xf32, #tpu.memory_space<hbm>> -> memref<64x128xf32, #tpu.memory_space<hbm>>
    tpu.enqueue_dma source(%dma_start3A_22 : memref<64x128xf32, #tpu.memory_space<hbm>>) target(%dma_start3A_20 : memref<64x128xf32, #tpu.memory_space<vmem>>) target_semaphore(%arg7 : memref<!tpu.dma_semaphore, #tpu.memory_space<semaphore_mem>>)
    %dma_start3A_23 = arith.constant 0 : i32
    %dma_start3A_24 = arith.constant 0 : i32
    %dma_start3A_25 = arith.constant 0 : i32
    %dma_start3A_26 = tpu.memref_slice %arg6[%rem3A_8, %dma_start3A_23, %dma_start3A_24, %dma_start3A_25] : memref<3x4x64x128xf32, #tpu.memory_space<vmem>> -> memref<1x4x64x128xf32, #tpu.memory_space<vmem>>
    %dma_start3A_27 = tpu.memref_squeeze %dma_start3A_26 : memref<1x4x64x128xf32, #tpu.memory_space<vmem>> -> memref<4x64x128xf32, #tpu.memory_space<vmem>>
    %dma_start3A_28 = arith.constant 0 : i32
    %dma_start3A_29 = arith.constant 0 : i32
    %dma_start3A_30 = tpu.memref_slice %arg2[%dma_start3A_28, %mul3A_6, %dma_start3A_29] : memref<4x65536x128xf32, #tpu.memory_space<hbm>> -> memref<4x64x128xf32, #tpu.memory_space<hbm>>
    %dma_start3A_31 = arith.constant 0 : i32
    %dma_start3A_32 = arith.constant 0 : i32
    %dma_start3A_33 = arith.constant 0 : i32
    %dma_start3A_34 = tpu.memref_slice %arg6[%rem3A_8, %dma_start3A_31, %dma_start3A_32, %dma_start3A_33] : memref<3x4x64x128xf32, #tpu.memory_space<vmem>> -> memref<1x4x64x128xf32, #tpu.memory_space<vmem>>
    %dma_start3A_35 = tpu.memref_squeeze %dma_start3A_34 : memref<1x4x64x128xf32, #tpu.memory_space<vmem>> -> memref<4x64x128xf32, #tpu.memory_space<vmem>>
    %dma_start3A_36 = arith.constant 0 : i32
    %dma_start3A_37 = arith.constant 0 : i32
    %dma_start3A_38 = tpu.memref_slice %arg2[%dma_start3A_36, %mul3A_6, %dma_start3A_37] : memref<4x65536x128xf32, #tpu.memory_space<hbm>> -> memref<4x64x128xf32, #tpu.memory_space<hbm>>
    tpu.enqueue_dma source(%dma_start3A_38 : memref<4x64x128xf32, #tpu.memory_space<hbm>>) target(%dma_start3A_35 : memref<4x64x128xf32, #tpu.memory_space<vmem>>) target_semaphore(%arg8 : memref<!tpu.dma_semaphore, #tpu.memory_space<semaphore_mem>>)
    %add3A_39 = arith.constant 8 : i32
    %add3A_40 = arith.addi %mul3A_2, %add3A_39 : i32
    %mul3A_41 = arith.constant 8 : i32
    %mul3A_42 = arith.muli %add3A_40, %mul3A_41 : i32
    %rem3A_43 = arith.constant 1 : i32
    %rem3A_44 = arith.constant 3 : i32
    %rem3A_45 = arith.remsi %rem3A_43, %rem3A_44 : i32
    %rem3A_46 = arith.constant 1 : i32
    %rem3A_47 = arith.constant 3 : i32
    %rem3A_48 = arith.remsi %rem3A_46, %rem3A_47 : i32
    %dma_start3A_49 = arith.constant 0 : i32
    %dma_start3A_50 = arith.constant 0 : i32
    %dma_start3A_51 = tpu.memref_slice %arg5[%rem3A_48, %dma_start3A_49, %dma_start3A_50] : memref<3x64x128xf32, #tpu.memory_space<vmem>> -> memref<1x64x128xf32, #tpu.memory_space<vmem>>
    %dma_start3A_52 = tpu.memref_squeeze %dma_start3A_51 : memref<1x64x128xf32, #tpu.memory_space<vmem>> -> memref<64x128xf32, #tpu.memory_space<vmem>>
    %dma_start3A_53 = arith.constant 0 : i32
    %dma_start3A_54 = tpu.memref_slice %arg3[%mul3A_42, %dma_start3A_53] : memref<65536x128xf32, #tpu.memory_space<hbm>> -> memref<64x128xf32, #tpu.memory_space<hbm>>
    %dma_start3A_55 = arith.constant 0 : i32
    %dma_start3A_56 = arith.constant 0 : i32
    %dma_start3A_57 = tpu.memref_slice %arg5[%rem3A_48, %dma_start3A_55, %dma_start3A_56] : memref<3x64x128xf32, #tpu.memory_space<vmem>> -> memref<1x64x128xf32, #tpu.memory_space<vmem>>
    %dma_start3A_58 = tpu.memref_squeeze %dma_start3A_57 : memref<1x64x128xf32, #tpu.memory_space<vmem>> -> memref<64x128xf32, #tpu.memory_space<vmem>>
    %dma_start3A_59 = arith.constant 0 : i32
    %dma_start3A_60 = tpu.memref_slice %arg3[%mul3A_42, %dma_start3A_59] : memref<65536x128xf32, #tpu.memory_space<hbm>> -> memref<64x128xf32, #tpu.memory_space<hbm>>
    tpu.enqueue_dma source(%dma_start3A_60 : memref<64x128xf32, #tpu.memory_space<hbm>>) target(%dma_start3A_58 : memref<64x128xf32, #tpu.memory_space<vmem>>) target_semaphore(%arg7 : memref<!tpu.dma_semaphore, #tpu.memory_space<semaphore_mem>>)
    %dma_start3A_61 = arith.constant 0 : i32
    %dma_start3A_62 = arith.constant 0 : i32
    %dma_start3A_63 = arith.constant 0 : i32
    %dma_start3A_64 = tpu.memref_slice %arg6[%rem3A_45, %dma_start3A_61, %dma_start3A_62, %dma_start3A_63] : memref<3x4x64x128xf32, #tpu.memory_space<vmem>> -> memref<1x4x64x128xf32, #tpu.memory_space<vmem>>
    %dma_start3A_65 = tpu.memref_squeeze %dma_start3A_64 : memref<1x4x64x128xf32, #tpu.memory_space<vmem>> -> memref<4x64x128xf32, #tpu.memory_space<vmem>>
    %dma_start3A_66 = arith.constant 0 : i32
    %dma_start3A_67 = arith.constant 0 : i32
    %dma_start3A_68 = tpu.memref_slice %arg2[%dma_start3A_66, %mul3A_42, %dma_start3A_67] : memref<4x65536x128xf32, #tpu.memory_space<hbm>> -> memref<4x64x128xf32, #tpu.memory_space<hbm>>
    %dma_start3A_69 = arith.constant 0 : i32
    %dma_start3A_70 = arith.constant 0 : i32
    %dma_start3A_71 = arith.constant 0 : i32
    %dma_start3A_72 = tpu.memref_slice %arg6[%rem3A_45, %dma_start3A_69, %dma_start3A_70, %dma_start3A_71] : memref<3x4x64x128xf32, #tpu.memory_space<vmem>> -> memref<1x4x64x128xf32, #tpu.memory_space<vmem>>
    %dma_start3A_73 = tpu.memref_squeeze %dma_start3A_72 : memref<1x4x64x128xf32, #tpu.memory_space<vmem>> -> memref<4x64x128xf32, #tpu.memory_space<vmem>>
    %dma_start3A_74 = arith.constant 0 : i32
    %dma_start3A_75 = arith.constant 0 : i32
    %dma_start3A_76 = tpu.memref_slice %arg2[%dma_start3A_74, %mul3A_42, %dma_start3A_75] : memref<4x65536x128xf32, #tpu.memory_space<hbm>> -> memref<4x64x128xf32, #tpu.memory_space<hbm>>
    tpu.enqueue_dma source(%dma_start3A_76 : memref<4x64x128xf32, #tpu.memory_space<hbm>>) target(%dma_start3A_73 : memref<4x64x128xf32, #tpu.memory_space<vmem>>) target_semaphore(%arg8 : memref<!tpu.dma_semaphore, #tpu.memory_space<semaphore_mem>>)
    %scan3A = arith.constant 0 : i32
    %scan3A_77 = arith.constant 0 : i32
    %scan3A_78 = arith.constant 32 : i32
    %scan3A_79 = arith.addi %scan3A_77, %scan3A_78 : i32
    %scan3A_80 = arith.constant 1 : i32
    scf.for %scan3A_100 = %scan3A_77 to %scan3A_79 step %scan3A_80  : i32 {
      %rem3A_101 = arith.constant 3 : i32
      %rem3A_102 = arith.remsi %scan3A_100, %rem3A_101 : i32
      %mul3A_103 = arith.constant 8 : i32
      %mul3A_104 = arith.muli %scan3A_100, %mul3A_103 : i32
      %add3A_105 = arith.addi %mul3A_2, %mul3A_104 : i32
      %mul3A_106 = arith.constant 8 : i32
      %mul3A_107 = arith.muli %add3A_105, %mul3A_106 : i32
      %rem3A_108 = arith.constant 3 : i32
      %rem3A_109 = arith.remsi %scan3A_100, %rem3A_108 : i32
      %dma_wait3A_110 = arith.constant 0 : i32
      %dma_wait3A_111 = arith.constant 0 : i32
      %dma_wait3A_112 = tpu.memref_slice %arg5[%rem3A_109, %dma_wait3A_110, %dma_wait3A_111] : memref<3x64x128xf32, #tpu.memory_space<vmem>> -> memref<1x64x128xf32, #tpu.memory_space<vmem>>
      %dma_wait3A_113 = tpu.memref_squeeze %dma_wait3A_112 : memref<1x64x128xf32, #tpu.memory_space<vmem>> -> memref<64x128xf32, #tpu.memory_space<vmem>>
      %dma_wait3A_114 = arith.constant 0 : i32
      %dma_wait3A_115 = tpu.memref_slice %arg3[%mul3A_107, %dma_wait3A_114] : memref<65536x128xf32, #tpu.memory_space<hbm>> -> memref<64x128xf32, #tpu.memory_space<hbm>>
      %dma_wait3A_116 = arith.constant 0 : i32
      %dma_wait3A_117 = arith.constant 0 : i32
      %dma_wait3A_118 = tpu.memref_slice %arg5[%rem3A_109, %dma_wait3A_116, %dma_wait3A_117] : memref<3x64x128xf32, #tpu.memory_space<vmem>> -> memref<1x64x128xf32, #tpu.memory_space<vmem>>
      %dma_wait3A_119 = tpu.memref_squeeze %dma_wait3A_118 : memref<1x64x128xf32, #tpu.memory_space<vmem>> -> memref<64x128xf32, #tpu.memory_space<vmem>>
      %dma_wait3A_120 = arith.constant 0 : i32
      %dma_wait3A_121 = tpu.memref_slice %arg3[%mul3A_107, %dma_wait3A_120] : memref<65536x128xf32, #tpu.memory_space<hbm>> -> memref<64x128xf32, #tpu.memory_space<hbm>>
      tpu.wait_dma2 semaphore(%arg7 : memref<!tpu.dma_semaphore, #tpu.memory_space<semaphore_mem>>) src(%dma_wait3A_121 : memref<64x128xf32, #tpu.memory_space<hbm>>) dst(%dma_wait3A_119 : memref<64x128xf32, #tpu.memory_space<vmem>>)
      %mul3A_122 = arith.constant 8 : i32
      %mul3A_123 = arith.muli %scan3A_100, %mul3A_122 : i32
      %add3A_124 = arith.addi %mul3A_2, %mul3A_123 : i32
      %mul3A_125 = arith.constant 8 : i32
      %mul3A_126 = arith.muli %add3A_124, %mul3A_125 : i32
      %dma_wait3A_127 = arith.constant 0 : i32
      %dma_wait3A_128 = arith.constant 0 : i32
      %dma_wait3A_129 = arith.constant 0 : i32
      %dma_wait3A_130 = tpu.memref_slice %arg6[%rem3A_102, %dma_wait3A_127, %dma_wait3A_128, %dma_wait3A_129] : memref<3x4x64x128xf32, #tpu.memory_space<vmem>> -> memref<1x4x64x128xf32, #tpu.memory_space<vmem>>
      %dma_wait3A_131 = tpu.memref_squeeze %dma_wait3A_130 : memref<1x4x64x128xf32, #tpu.memory_space<vmem>> -> memref<4x64x128xf32, #tpu.memory_space<vmem>>
      %dma_wait3A_132 = arith.constant 0 : i32
      %dma_wait3A_133 = arith.constant 0 : i32
      %dma_wait3A_134 = tpu.memref_slice %arg2[%dma_wait3A_132, %mul3A_126, %dma_wait3A_133] : memref<4x65536x128xf32, #tpu.memory_space<hbm>> -> memref<4x64x128xf32, #tpu.memory_space<hbm>>
      %dma_wait3A_135 = arith.constant 0 : i32
      %dma_wait3A_136 = arith.constant 0 : i32
      %dma_wait3A_137 = arith.constant 0 : i32
      %dma_wait3A_138 = tpu.memref_slice %arg6[%rem3A_102, %dma_wait3A_135, %dma_wait3A_136, %dma_wait3A_137] : memref<3x4x64x128xf32, #tpu.memory_space<vmem>> -> memref<1x4x64x128xf32, #tpu.memory_space<vmem>>
      %dma_wait3A_139 = tpu.memref_squeeze %dma_wait3A_138 : memref<1x4x64x128xf32, #tpu.memory_space<vmem>> -> memref<4x64x128xf32, #tpu.memory_space<vmem>>
      %dma_wait3A_140 = arith.constant 0 : i32
      %dma_wait3A_141 = arith.constant 0 : i32
      %dma_wait3A_142 = tpu.memref_slice %arg2[%dma_wait3A_140, %mul3A_126, %dma_wait3A_141] : memref<4x65536x128xf32, #tpu.memory_space<hbm>> -> memref<4x64x128xf32, #tpu.memory_space<hbm>>
      tpu.wait_dma2 semaphore(%arg8 : memref<!tpu.dma_semaphore, #tpu.memory_space<semaphore_mem>>) src(%dma_wait3A_142 : memref<4x64x128xf32, #tpu.memory_space<hbm>>) dst(%dma_wait3A_139 : memref<4x64x128xf32, #tpu.memory_space<vmem>>)
      %rem3A_143 = arith.constant 3 : i32
      %rem3A_144 = arith.remsi %scan3A_100, %rem3A_143 : i32
      %rem3A_145 = arith.constant 3 : i32
      %rem3A_146 = arith.remsi %scan3A_100, %rem3A_145 : i32
      %parallel_loop3A = arith.constant 0 : i32
      %parallel_loop3A_147 = arith.constant 64 : i32
      %parallel_loop3A_148 = arith.constant 1 : i32
      scf.for %parallel_loop3A_180 = %parallel_loop3A to %parallel_loop3A_147 step %parallel_loop3A_148  : i32 {
        %parallel_loop3A_181 = arith.index_cast %rem3A_146 : i32 to index
        %parallel_loop3A_182 = arith.index_cast %parallel_loop3A_180 : i32 to index
        %parallel_loop3A_183 = arith.constant 0 : index
        %parallel_loop3A_184 = tpu.vector_load %arg5[%parallel_loop3A_181, %parallel_loop3A_182, %parallel_loop3A_183] {strides = array<i32>} : memref<3x64x128xf32, #tpu.memory_space<vmem>>, vector<1x1x16xf32>,
        %parallel_loop3A_185 = vector.shape_cast %parallel_loop3A_184 : vector<1x1x16xf32> to vector<16xf32>
        %parallel_loop3A_186 = arith.constant 0 : i32
        %parallel_loop3A_187 = arith.index_cast %rem3A_144 : i32 to index
        %parallel_loop3A_188 = arith.index_cast %parallel_loop3A_186 : i32 to index
        %parallel_loop3A_189 = arith.index_cast %parallel_loop3A_180 : i32 to index
        %parallel_loop3A_190 = arith.constant 0 : index
        %parallel_loop3A_191 = tpu.vector_load %arg6[%parallel_loop3A_187, %parallel_loop3A_188, %parallel_loop3A_189, %parallel_loop3A_190] {strides = array<i32>} : memref<3x4x64x128xf32, #tpu.memory_space<vmem>>, vector<1x1x1x16xf32>,
        %parallel_loop3A_192 = vector.shape_cast %parallel_loop3A_191 : vector<1x1x1x16xf32> to vector<16xf32>
        %parallel_loop3A_193 = arith.addf %parallel_loop3A_192, %parallel_loop3A_185 : vector<16xf32>
        %parallel_loop3A_194 = arith.constant 0 : i32
        %parallel_loop3A_195 = arith.index_cast %rem3A_144 : i32 to index
        %parallel_loop3A_196 = arith.index_cast %parallel_loop3A_194 : i32 to index
        %parallel_loop3A_197 = arith.index_cast %parallel_loop3A_180 : i32 to index
        %parallel_loop3A_198 = arith.constant 0 : index
        %parallel_loop3A_199 = tpu.vector_load %arg6[%parallel_loop3A_195, %parallel_loop3A_196, %parallel_loop3A_197, %parallel_loop3A_198] {strides = array<i32>} : memref<3x4x64x128xf32, #tpu.memory_space<vmem>>, vector<1x1x1x16xf32>,
        %parallel_loop3A_200 = vector.shape_cast %parallel_loop3A_199 : vector<1x1x1x16xf32> to vector<16xf32>
        %parallel_loop3A_201 = vector.shape_cast %parallel_loop3A_193 : vector<16xf32> to vector<1x1x1x16xf32>
        tpu.vector_store %arg6[%parallel_loop3A_195, %parallel_loop3A_196, %parallel_loop3A_197, %parallel_loop3A_198], %parallel_loop3A_201 {strides = array<i32>} : memref<3x4x64x128xf32, #tpu.memory_space<vmem>>, vector<1x1x1x16xf32>,
        %parallel_loop3A_202 = arith.constant 1 : i32
        %parallel_loop3A_203 = arith.index_cast %rem3A_144 : i32 to index
        %parallel_loop3A_204 = arith.index_cast %parallel_loop3A_202 : i32 to index
        %parallel_loop3A_205 = arith.index_cast %parallel_loop3A_180 : i32 to index
        %parallel_loop3A_206 = arith.constant 0 : index
        %parallel_loop3A_207 = tpu.vector_load %arg6[%parallel_loop3A_203, %parallel_loop3A_204, %parallel_loop3A_205, %parallel_loop3A_206] {strides = array<i32>} : memref<3x4x64x128xf32, #tpu.memory_space<vmem>>, vector<1x1x1x16xf32>,
        %parallel_loop3A_208 = vector.shape_cast %parallel_loop3A_207 : vector<1x1x1x16xf32> to vector<16xf32>
        %parallel_loop3A_209 = arith.addf %parallel_loop3A_208, %parallel_loop3A_185 : vector<16xf32>
        %parallel_loop3A_210 = arith.constant 1 : i32
        %parallel_loop3A_211 = arith.index_cast %rem3A_144 : i32 to index
        %parallel_loop3A_212 = arith.index_cast %parallel_loop3A_210 : i32 to index
        %parallel_loop3A_213 = arith.index_cast %parallel_loop3A_180 : i32 to index
        %parallel_loop3A_214 = arith.constant 0 : index
        %parallel_loop3A_215 = tpu.vector_load %arg6[%parallel_loop3A_211, %parallel_loop3A_212, %parallel_loop3A_213, %parallel_loop3A_214] {strides = array<i32>} : memref<3x4x64x128xf32, #tpu.memory_space<vmem>>, vector<1x1x1x16xf32>,
        %parallel_loop3A_216 = vector.shape_cast %parallel_loop3A_215 : vector<1x1x1x16xf32> to vector<16xf32>
        %parallel_loop3A_217 = vector.shape_cast %parallel_loop3A_209 : vector<16xf32> to vector<1x1x1x16xf32>
        tpu.vector_store %arg6[%parallel_loop3A_211, %parallel_loop3A_212, %parallel_loop3A_213, %parallel_loop3A_214], %parallel_loop3A_217 {strides = array<i32>} : memref<3x4x64x128xf32, #tpu.memory_space<vmem>>, vector<1x1x1x16xf32>,
        %parallel_loop3A_218 = arith.constant 2 : i32
        %parallel_loop3A_219 = arith.index_cast %rem3A_144 : i32 to index
        %parallel_loop3A_220 = arith.index_cast %parallel_loop3A_218 : i32 to index
        %parallel_loop3A_221 = arith.index_cast %parallel_loop3A_180 : i32 to index
        %parallel_loop3A_222 = arith.constant 0 : index
        %parallel_loop3A_223 = tpu.vector_load %arg6[%parallel_loop3A_219, %parallel_loop3A_220, %parallel_loop3A_221, %parallel_loop3A_222] {strides = array<i32>} : memref<3x4x64x128xf32, #tpu.memory_space<vmem>>, vector<1x1x1x16xf32>,
        %parallel_loop3A_224 = vector.shape_cast %parallel_loop3A_223 : vector<1x1x1x16xf32> to vector<16xf32>
        %parallel_loop3A_225 = arith.addf %parallel_loop3A_224, %parallel_loop3A_185 : vector<16xf32>
        %parallel_loop3A_226 = arith.constant 2 : i32
        %parallel_loop3A_227 = arith.index_cast %rem3A_144 : i32 to index
        %parallel_loop3A_228 = arith.index_cast %parallel_loop3A_226 : i32 to index
        %parallel_loop3A_229 = arith.index_cast %parallel_loop3A_180 : i32 to index
        %parallel_loop3A_230 = arith.constant 0 : index
        %parallel_loop3A_231 = tpu.vector_load %arg6[%parallel_loop3A_227, %parallel_loop3A_228, %parallel_loop3A_229, %parallel_loop3A_230] {strides = array<i32>} : memref<3x4x64x128xf32, #tpu.memory_space<vmem>>, vector<1x1x1x16xf32>,
        %parallel_loop3A_232 = vector.shape_cast %parallel_loop3A_231 : vector<1x1x1x16xf32> to vector<16xf32>
        %parallel_loop3A_233 = vector.shape_cast %parallel_loop3A_225 : vector<16xf32> to vector<1x1x1x16xf32>
        tpu.vector_store %arg6[%parallel_loop3A_227, %parallel_loop3A_228, %parallel_loop3A_229, %parallel_loop3A_230], %parallel_loop3A_233 {strides = array<i32>} : memref<3x4x64x128xf32, #tpu.memory_space<vmem>>, vector<1x1x1x16xf32>,
        %parallel_loop3A_234 = arith.constant 3 : i32
        %parallel_loop3A_235 = arith.index_cast %rem3A_144 : i32 to index
        %parallel_loop3A_236 = arith.index_cast %parallel_loop3A_234 : i32 to index
        %parallel_loop3A_237 = arith.index_cast %parallel_loop3A_180 : i32 to index
        %parallel_loop3A_238 = arith.constant 0 : index
        %parallel_loop3A_239 = tpu.vector_load %arg6[%parallel_loop3A_235, %parallel_loop3A_236, %parallel_loop3A_237, %parallel_loop3A_238] {strides = array<i32>} : memref<3x4x64x128xf32, #tpu.memory_space<vmem>>, vector<1x1x1x16xf32>,
        %parallel_loop3A_240 = vector.shape_cast %parallel_loop3A_239 : vector<1x1x1x16xf32> to vector<16xf32>
        %parallel_loop3A_241 = arith.addf %parallel_loop3A_240, %parallel_loop3A_185 : vector<16xf32>
        %parallel_loop3A_242 = arith.constant 3 : i32
        %parallel_loop3A_243 = arith.index_cast %rem3A_144 : i32 to index
        %parallel_loop3A_244 = arith.index_cast %parallel_loop3A_242 : i32 to index
        %parallel_loop3A_245 = arith.index_cast %parallel_loop3A_180 : i32 to index
        %parallel_loop3A_246 = arith.constant 0 : index
        %parallel_loop3A_247 = tpu.vector_load %arg6[%parallel_loop3A_243, %parallel_loop3A_244, %parallel_loop3A_245, %parallel_loop3A_246] {strides = array<i32>} : memref<3x4x64x128xf32, #tpu.memory_space<vmem>>, vector<1x1x1x16xf32>,
        %parallel_loop3A_248 = vector.shape_cast %parallel_loop3A_247 : vector<1x1x1x16xf32> to vector<16xf32>
        %parallel_loop3A_249 = vector.shape_cast %parallel_loop3A_241 : vector<16xf32> to vector<1x1x1x16xf32>
        tpu.vector_store %arg6[%parallel_loop3A_243, %parallel_loop3A_244, %parallel_loop3A_245, %parallel_loop3A_246], %parallel_loop3A_249 {strides = array<i32>} : memref<3x4x64x128xf32, #tpu.memory_space<vmem>>, vector<1x1x1x16xf32>,
        %parallel_loop3A_250 = arith.index_cast %rem3A_146 : i32 to index
        %parallel_loop3A_251 = arith.index_cast %parallel_loop3A_180 : i32 to index
        %parallel_loop3A_252 = arith.constant 16 : index
        %parallel_loop3A_253 = tpu.vector_load %arg5[%parallel_loop3A_250, %parallel_loop3A_251, %parallel_loop3A_252] {strides = array<i32>} : memref<3x64x128xf32, #tpu.memory_space<vmem>>, vector<1x1x16xf32>,
        %parallel_loop3A_254 = vector.shape_cast %parallel_loop3A_253 : vector<1x1x16xf32> to vector<16xf32>
        %parallel_loop3A_255 = arith.constant 0 : i32
        %parallel_loop3A_256 = arith.index_cast %rem3A_144 : i32 to index
        %parallel_loop3A_257 = arith.index_cast %parallel_loop3A_255 : i32 to index
        %parallel_loop3A_258 = arith.index_cast %parallel_loop3A_180 : i32 to index
        %parallel_loop3A_259 = arith.constant 16 : index
        %parallel_loop3A_260 = tpu.vector_load %arg6[%parallel_loop3A_256, %parallel_loop3A_257, %parallel_loop3A_258, %parallel_loop3A_259] {strides = array<i32>} : memref<3x4x64x128xf32, #tpu.memory_space<vmem>>, vector<1x1x1x16xf32>,
        %parallel_loop3A_261 = vector.shape_cast %parallel_loop3A_260 : vector<1x1x1x16xf32> to vector<16xf32>
        %parallel_loop3A_262 = arith.addf %parallel_loop3A_261, %parallel_loop3A_254 : vector<16xf32>
        %parallel_loop3A_263 = arith.constant 0 : i32
        %parallel_loop3A_264 = arith.index_cast %rem3A_144 : i32 to index
        %parallel_loop3A_265 = arith.index_cast %parallel_loop3A_263 : i32 to index
        %parallel_loop3A_266 = arith.index_cast %parallel_loop3A_180 : i32 to index
        %parallel_loop3A_267 = arith.constant 16 : index
        %parallel_loop3A_268 = tpu.vector_load %arg6[%parallel_loop3A_264, %parallel_loop3A_265, %parallel_loop3A_266, %parallel_loop3A_267] {strides = array<i32>} : memref<3x4x64x128xf32, #tpu.memory_space<vmem>>, vector<1x1x1x16xf32>,
        %parallel_loop3A_269 = vector.shape_cast %parallel_loop3A_268 : vector<1x1x1x16xf32> to vector<16xf32>
        %parallel_loop3A_270 = vector.shape_cast %parallel_loop3A_262 : vector<16xf32> to vector<1x1x1x16xf32>
        tpu.vector_store %arg6[%parallel_loop3A_264, %parallel_loop3A_265, %parallel_loop3A_266, %parallel_loop3A_267], %parallel_loop3A_270 {strides = array<i32>} : memref<3x4x64x128xf32, #tpu.memory_space<vmem>>, vector<1x1x1x16xf32>,
        %parallel_loop3A_271 = arith.constant 1 : i32
        %parallel_loop3A_272 = arith.index_cast %rem3A_144 : i32 to index
        %parallel_loop3A_273 = arith.index_cast %parallel_loop3A_271 : i32 to index
        %parallel_loop3A_274 = arith.index_cast %parallel_loop3A_180 : i32 to index
        %parallel_loop3A_275 = arith.constant 16 : index
        %parallel_loop3A_276 = tpu.vector_load %arg6[%parallel_loop3A_272, %parallel_loop3A_273, %parallel_loop3A_274, %parallel_loop3A_275] {strides = array<i32>} : memref<3x4x64x128xf32, #tpu.memory_space<vmem>>, vector<1x1x1x16xf32>,
        %parallel_loop3A_277 = vector.shape_cast %parallel_loop3A_276 : vector<1x1x1x16xf32> to vector<16xf32>
        %parallel_loop3A_278 = arith.addf %parallel_loop3A_277, %parallel_loop3A_254 : vector<16xf32>
        %parallel_loop3A_279 = arith.constant 1 : i32
        %parallel_loop3A_280 = arith.index_cast %rem3A_144 : i32 to index
        %parallel_loop3A_281 = arith.index_cast %parallel_loop3A_279 : i32 to index
        %parallel_loop3A_282 = arith.index_cast %parallel_loop3A_180 : i32 to index
        %parallel_loop3A_283 = arith.constant 16 : index
        %parallel_loop3A_284 = tpu.vector_load %arg6[%parallel_loop3A_280, %parallel_loop3A_281, %parallel_loop3A_282, %parallel_loop3A_283] {strides = array<i32>} : memref<3x4x64x128xf32, #tpu.memory_space<vmem>>, vector<1x1x1x16xf32>,
        %parallel_loop3A_285 = vector.shape_cast %parallel_loop3A_284 : vector<1x1x1x16xf32> to vector<16xf32>
        %parallel_loop3A_286 = vector.shape_cast %parallel_loop3A_278 : vector<16xf32> to vector<1x1x1x16xf32>
        tpu.vector_store %arg6[%parallel_loop3A_280, %parallel_loop3A_281, %parallel_loop3A_282, %parallel_loop3A_283], %parallel_loop3A_286 {strides = array<i32>} : memref<3x4x64x128xf32, #tpu.memory_space<vmem>>, vector<1x1x1x16xf32>,
        %parallel_loop3A_287 = arith.constant 2 : i32
        %parallel_loop3A_288 = arith.index_cast %rem3A_144 : i32 to index
        %parallel_loop3A_289 = arith.index_cast %parallel_loop3A_287 : i32 to index
        %parallel_loop3A_290 = arith.index_cast %parallel_loop3A_180 : i32 to index
        %parallel_loop3A_291 = arith.constant 16 : index
        %parallel_loop3A_292 = tpu.vector_load %arg6[%parallel_loop3A_288, %parallel_loop3A_289, %parallel_loop3A_290, %parallel_loop3A_291] {strides = array<i32>} : memref<3x4x64x128xf32, #tpu.memory_space<vmem>>, vector<1x1x1x16xf32>,
        %parallel_loop3A_293 = vector.shape_cast %parallel_loop3A_292 : vector<1x1x1x16xf32> to vector<16xf32>
        %parallel_loop3A_294 = arith.addf %parallel_loop3A_293, %parallel_loop3A_254 : vector<16xf32>
        %parallel_loop3A_295 = arith.constant 2 : i32
        %parallel_loop3A_296 = arith.index_cast %rem3A_144 : i32 to index
        %parallel_loop3A_297 = arith.index_cast %parallel_loop3A_295 : i32 to index
        %parallel_loop3A_298 = arith.index_cast %parallel_loop3A_180 : i32 to index
        %parallel_loop3A_299 = arith.constant 16 : index
        %parallel_loop3A_300 = tpu.vector_load %arg6[%parallel_loop3A_296, %parallel_loop3A_297, %parallel_loop3A_298, %parallel_loop3A_299] {strides = array<i32>} : memref<3x4x64x128xf32, #tpu.memory_space<vmem>>, vector<1x1x1x16xf32>,
        %parallel_loop3A_301 = vector.shape_cast %parallel_loop3A_300 : vector<1x1x1x16xf32> to vector<16xf32>
        %parallel_loop3A_302 = vector.shape_cast %parallel_loop3A_294 : vector<16xf32> to vector<1x1x1x16xf32>
        tpu.vector_store %arg6[%parallel_loop3A_296, %parallel_loop3A_297, %parallel_loop3A_298, %parallel_loop3A_299], %parallel_loop3A_302 {strides = array<i32>} : memref<3x4x64x128xf32, #tpu.memory_space<vmem>>, vector<1x1x1x16xf32>,
        %parallel_loop3A_303 = arith.constant 3 : i32
        %parallel_loop3A_304 = arith.index_cast %rem3A_144 : i32 to index
        %parallel_loop3A_305 = arith.index_cast %parallel_loop3A_303 : i32 to index
        %parallel_loop3A_306 = arith.index_cast %parallel_loop3A_180 : i32 to index
        %parallel_loop3A_307 = arith.constant 16 : index
        %parallel_loop3A_308 = tpu.vector_load %arg6[%parallel_loop3A_304, %parallel_loop3A_305, %parallel_loop3A_306, %parallel_loop3A_307] {strides = array<i32>} : memref<3x4x64x128xf32, #tpu.memory_space<vmem>>, vector<1x1x1x16xf32>,
        %parallel_loop3A_309 = vector.shape_cast %parallel_loop3A_308 : vector<1x1x1x16xf32> to vector<16xf32>
        %parallel_loop3A_310 = arith.addf %parallel_loop3A_309, %parallel_loop3A_254 : vector<16xf32>
        %parallel_loop3A_311 = arith.constant 3 : i32
        %parallel_loop3A_312 = arith.index_cast %rem3A_144 : i32 to index
        %parallel_loop3A_313 = arith.index_cast %parallel_loop3A_311 : i32 to index
        %parallel_loop3A_314 = arith.index_cast %parallel_loop3A_180 : i32 to index
        %parallel_loop3A_315 = arith.constant 16 : index
        %parallel_loop3A_316 = tpu.vector_load %arg6[%parallel_loop3A_312, %parallel_loop3A_313, %parallel_loop3A_314, %parallel_loop3A_315] {strides = array<i32>} : memref<3x4x64x128xf32, #tpu.memory_space<vmem>>, vector<1x1x1x16xf32>,
        %parallel_loop3A_317 = vector.shape_cast %parallel_loop3A_316 : vector<1x1x1x16xf32> to vector<16xf32>
        %parallel_loop3A_318 = vector.shape_cast %parallel_loop3A_310 : vector<16xf32> to vector<1x1x1x16xf32>
        tpu.vector_store %arg6[%parallel_loop3A_312, %parallel_loop3A_313, %parallel_loop3A_314, %parallel_loop3A_315], %parallel_loop3A_318 {strides = array<i32>} : memref<3x4x64x128xf32, #tpu.memory_space<vmem>>, vector<1x1x1x16xf32>,
        %parallel_loop3A_319 = arith.index_cast %rem3A_146 : i32 to index
        %parallel_loop3A_320 = arith.index_cast %parallel_loop3A_180 : i32 to index
        %parallel_loop3A_321 = arith.constant 32 : index
        %parallel_loop3A_322 = tpu.vector_load %arg5[%parallel_loop3A_319, %parallel_loop3A_320, %parallel_loop3A_321] {strides = array<i32>} : memref<3x64x128xf32, #tpu.memory_space<vmem>>, vector<1x1x16xf32>,
        %parallel_loop3A_323 = vector.shape_cast %parallel_loop3A_322 : vector<1x1x16xf32> to vector<16xf32>
        %parallel_loop3A_324 = arith.constant 0 : i32
        %parallel_loop3A_325 = arith.index_cast %rem3A_144 : i32 to index
        %parallel_loop3A_326 = arith.index_cast %parallel_loop3A_324 : i32 to index
        %parallel_loop3A_327 = arith.index_cast %parallel_loop3A_180 : i32 to index
        %parallel_loop3A_328 = arith.constant 32 : index
        %parallel_loop3A_329 = tpu.vector_load %arg6[%parallel_loop3A_325, %parallel_loop3A_326, %parallel_loop3A_327, %parallel_loop3A_328] {strides = array<i32>} : memref<3x4x64x128xf32, #tpu.memory_space<vmem>>, vector<1x1x1x16xf32>,
        %parallel_loop3A_330 = vector.shape_cast %parallel_loop3A_329 : vector<1x1x1x16xf32> to vector<16xf32>
        %parallel_loop3A_331 = arith.addf %parallel_loop3A_330, %parallel_loop3A_323 : vector<16xf32>
        %parallel_loop3A_332 = arith.constant 0 : i32
        %parallel_loop3A_333 = arith.index_cast %rem3A_144 : i32 to index
        %parallel_loop3A_334 = arith.index_cast %parallel_loop3A_332 : i32 to index
        %parallel_loop3A_335 = arith.index_cast %parallel_loop3A_180 : i32 to index
        %parallel_loop3A_336 = arith.constant 32 : index
        %parallel_loop3A_337 = tpu.vector_load %arg6[%parallel_loop3A_333, %parallel_loop3A_334, %parallel_loop3A_335, %parallel_loop3A_336] {strides = array<i32>} : memref<3x4x64x128xf32, #tpu.memory_space<vmem>>, vector<1x1x1x16xf32>,
        %parallel_loop3A_338 = vector.shape_cast %parallel_loop3A_337 : vector<1x1x1x16xf32> to vector<16xf32>
        %parallel_loop3A_339 = vector.shape_cast %parallel_loop3A_331 : vector<16xf32> to vector<1x1x1x16xf32>
        tpu.vector_store %arg6[%parallel_loop3A_333, %parallel_loop3A_334, %parallel_loop3A_335, %parallel_loop3A_336], %parallel_loop3A_339 {strides = array<i32>} : memref<3x4x64x128xf32, #tpu.memory_space<vmem>>, vector<1x1x1x16xf32>,
        %parallel_loop3A_340 = arith.constant 1 : i32
        %parallel_loop3A_341 = arith.index_cast %rem3A_144 : i32 to index
        %parallel_loop3A_342 = arith.index_cast %parallel_loop3A_340 : i32 to index
        %parallel_loop3A_343 = arith.index_cast %parallel_loop3A_180 : i32 to index
        %parallel_loop3A_344 = arith.constant 32 : index
        %parallel_loop3A_345 = tpu.vector_load %arg6[%parallel_loop3A_341, %parallel_loop3A_342, %parallel_loop3A_343, %parallel_loop3A_344] {strides = array<i32>} : memref<3x4x64x128xf32, #tpu.memory_space<vmem>>, vector<1x1x1x16xf32>,
        %parallel_loop3A_346 = vector.shape_cast %parallel_loop3A_345 : vector<1x1x1x16xf32> to vector<16xf32>
        %parallel_loop3A_347 = arith.addf %parallel_loop3A_346, %parallel_loop3A_323 : vector<16xf32>
        %parallel_loop3A_348 = arith.constant 1 : i32
        %parallel_loop3A_349 = arith.index_cast %rem3A_144 : i32 to index
        %parallel_loop3A_350 = arith.index_cast %parallel_loop3A_348 : i32 to index
        %parallel_loop3A_351 = arith.index_cast %parallel_loop3A_180 : i32 to index
        %parallel_loop3A_352 = arith.constant 32 : index
        %parallel_loop3A_353 = tpu.vector_load %arg6[%parallel_loop3A_349, %parallel_loop3A_350, %parallel_loop3A_351, %parallel_loop3A_352] {strides = array<i32>} : memref<3x4x64x128xf32, #tpu.memory_space<vmem>>, vector<1x1x1x16xf32>,
        %parallel_loop3A_354 = vector.shape_cast %parallel_loop3A_353 : vector<1x1x1x16xf32> to vector<16xf32>
        %parallel_loop3A_355 = vector.shape_cast %parallel_loop3A_347 : vector<16xf32> to vector<1x1x1x16xf32>
        tpu.vector_store %arg6[%parallel_loop3A_349, %parallel_loop3A_350, %parallel_loop3A_351, %parallel_loop3A_352], %parallel_loop3A_355 {strides = array<i32>} : memref<3x4x64x128xf32, #tpu.memory_space<vmem>>, vector<1x1x1x16xf32>,
        %parallel_loop3A_356 = arith.constant 2 : i32
        %parallel_loop3A_357 = arith.index_cast %rem3A_144 : i32 to index
        %parallel_loop3A_358 = arith.index_cast %parallel_loop3A_356 : i32 to index
        %parallel_loop3A_359 = arith.index_cast %parallel_loop3A_180 : i32 to index
        %parallel_loop3A_360 = arith.constant 32 : index
        %parallel_loop3A_361 = tpu.vector_load %arg6[%parallel_loop3A_357, %parallel_loop3A_358, %parallel_loop3A_359, %parallel_loop3A_360] {strides = array<i32>} : memref<3x4x64x128xf32, #tpu.memory_space<vmem>>, vector<1x1x1x16xf32>,
        %parallel_loop3A_362 = vector.shape_cast %parallel_loop3A_361 : vector<1x1x1x16xf32> to vector<16xf32>
        %parallel_loop3A_363 = arith.addf %parallel_loop3A_362, %parallel_loop3A_323 : vector<16xf32>
        %parallel_loop3A_364 = arith.constant 2 : i32
        %parallel_loop3A_365 = arith.index_cast %rem3A_144 : i32 to index
        %parallel_loop3A_366 = arith.index_cast %parallel_loop3A_364 : i32 to index
        %parallel_loop3A_367 = arith.index_cast %parallel_loop3A_180 : i32 to index
        %parallel_loop3A_368 = arith.constant 32 : index
        %parallel_loop3A_369 = tpu.vector_load %arg6[%parallel_loop3A_365, %parallel_loop3A_366, %parallel_loop3A_367, %parallel_loop3A_368] {strides = array<i32>} : memref<3x4x64x128xf32, #tpu.memory_space<vmem>>, vector<1x1x1x16xf32>,
        %parallel_loop3A_370 = vector.shape_cast %parallel_loop3A_369 : vector<1x1x1x16xf32> to vector<16xf32>
        %parallel_loop3A_371 = vector.shape_cast %parallel_loop3A_363 : vector<16xf32> to vector<1x1x1x16xf32>
        tpu.vector_store %arg6[%parallel_loop3A_365, %parallel_loop3A_366, %parallel_loop3A_367, %parallel_loop3A_368], %parallel_loop3A_371 {strides = array<i32>} : memref<3x4x64x128xf32, #tpu.memory_space<vmem>>, vector<1x1x1x16xf32>,
        %parallel_loop3A_372 = arith.constant 3 : i32
        %parallel_loop3A_373 = arith.index_cast %rem3A_144 : i32 to index
        %parallel_loop3A_374 = arith.index_cast %parallel_loop3A_372 : i32 to index
        %parallel_loop3A_375 = arith.index_cast %parallel_loop3A_180 : i32 to index
        %parallel_loop3A_376 = arith.constant 32 : index
        %parallel_loop3A_377 = tpu.vector_load %arg6[%parallel_loop3A_373, %parallel_loop3A_374, %parallel_loop3A_375, %parallel_loop3A_376] {strides = array<i32>} : memref<3x4x64x128xf32, #tpu.memory_space<vmem>>, vector<1x1x1x16xf32>,
        %parallel_loop3A_378 = vector.shape_cast %parallel_loop3A_377 : vector<1x1x1x16xf32> to vector<16xf32>
        %parallel_loop3A_379 = arith.addf %parallel_loop3A_378, %parallel_loop3A_323 : vector<16xf32>
        %parallel_loop3A_380 = arith.constant 3 : i32
        %parallel_loop3A_381 = arith.index_cast %rem3A_144 : i32 to index
        %parallel_loop3A_382 = arith.index_cast %parallel_loop3A_380 : i32 to index
        %parallel_loop3A_383 = arith.index_cast %parallel_loop3A_180 : i32 to index
        %parallel_loop3A_384 = arith.constant 32 : index
        %parallel_loop3A_385 = tpu.vector_load %arg6[%parallel_loop3A_381, %parallel_loop3A_382, %parallel_loop3A_383, %parallel_loop3A_384] {strides = array<i32>} : memref<3x4x64x128xf32, #tpu.memory_space<vmem>>, vector<1x1x1x16xf32>,
        %parallel_loop3A_386 = vector.shape_cast %parallel_loop3A_385 : vector<1x1x1x16xf32> to vector<16xf32>
        %parallel_loop3A_387 = vector.shape_cast %parallel_loop3A_379 : vector<16xf32> to vector<1x1x1x16xf32>
        tpu.vector_store %arg6[%parallel_loop3A_381, %parallel_loop3A_382, %parallel_loop3A_383, %parallel_loop3A_384], %parallel_loop3A_387 {strides = array<i32>} : memref<3x4x64x128xf32, #tpu.memory_space<vmem>>, vector<1x1x1x16xf32>,
        %parallel_loop3A_388 = arith.index_cast %rem3A_146 : i32 to index
        %parallel_loop3A_389 = arith.index_cast %parallel_loop3A_180 : i32 to index
        %parallel_loop3A_390 = arith.constant 48 : index
        %parallel_loop3A_391 = tpu.vector_load %arg5[%parallel_loop3A_388, %parallel_loop3A_389, %parallel_loop3A_390] {strides = array<i32>} : memref<3x64x128xf32, #tpu.memory_space<vmem>>, vector<1x1x16xf32>,
        %parallel_loop3A_392 = vector.shape_cast %parallel_loop3A_391 : vector<1x1x16xf32> to vector<16xf32>
        %parallel_loop3A_393 = arith.constant 0 : i32
        %parallel_loop3A_394 = arith.index_cast %rem3A_144 : i32 to index
        %parallel_loop3A_395 = arith.index_cast %parallel_loop3A_393 : i32 to index
        %parallel_loop3A_396 = arith.index_cast %parallel_loop3A_180 : i32 to index
        %parallel_loop3A_397 = arith.constant 48 : index
        %parallel_loop3A_398 = tpu.vector_load %arg6[%parallel_loop3A_394, %parallel_loop3A_395, %parallel_loop3A_396, %parallel_loop3A_397] {strides = array<i32>} : memref<3x4x64x128xf32, #tpu.memory_space<vmem>>, vector<1x1x1x16xf32>,
        %parallel_loop3A_399 = vector.shape_cast %parallel_loop3A_398 : vector<1x1x1x16xf32> to vector<16xf32>
        %parallel_loop3A_400 = arith.addf %parallel_loop3A_399, %parallel_loop3A_392 : vector<16xf32>
        %parallel_loop3A_401 = arith.constant 0 : i32
        %parallel_loop3A_402 = arith.index_cast %rem3A_144 : i32 to index
        %parallel_loop3A_403 = arith.index_cast %parallel_loop3A_401 : i32 to index
        %parallel_loop3A_404 = arith.index_cast %parallel_loop3A_180 : i32 to index
        %parallel_loop3A_405 = arith.constant 48 : index
        %parallel_loop3A_406 = tpu.vector_load %arg6[%parallel_loop3A_402, %parallel_loop3A_403, %parallel_loop3A_404, %parallel_loop3A_405] {strides = array<i32>} : memref<3x4x64x128xf32, #tpu.memory_space<vmem>>, vector<1x1x1x16xf32>,
        %parallel_loop3A_407 = vector.shape_cast %parallel_loop3A_406 : vector<1x1x1x16xf32> to vector<16xf32>
        %parallel_loop3A_408 = vector.shape_cast %parallel_loop3A_400 : vector<16xf32> to vector<1x1x1x16xf32>
        tpu.vector_store %arg6[%parallel_loop3A_402, %parallel_loop3A_403, %parallel_loop3A_404, %parallel_loop3A_405], %parallel_loop3A_408 {strides = array<i32>} : memref<3x4x64x128xf32, #tpu.memory_space<vmem>>, vector<1x1x1x16xf32>,
        %parallel_loop3A_409 = arith.constant 1 : i32
        %parallel_loop3A_410 = arith.index_cast %rem3A_144 : i32 to index
        %parallel_loop3A_411 = arith.index_cast %parallel_loop3A_409 : i32 to index
        %parallel_loop3A_412 = arith.index_cast %parallel_loop3A_180 : i32 to index
        %parallel_loop3A_413 = arith.constant 48 : index
        %parallel_loop3A_414 = tpu.vector_load %arg6[%parallel_loop3A_410, %parallel_loop3A_411, %parallel_loop3A_412, %parallel_loop3A_413] {strides = array<i32>} : memref<3x4x64x128xf32, #tpu.memory_space<vmem>>, vector<1x1x1x16xf32>,
        %parallel_loop3A_415 = vector.shape_cast %parallel_loop3A_414 : vector<1x1x1x16xf32> to vector<16xf32>
        %parallel_loop3A_416 = arith.addf %parallel_loop3A_415, %parallel_loop3A_392 : vector<16xf32>
        %parallel_loop3A_417 = arith.constant 1 : i32
        %parallel_loop3A_418 = arith.index_cast %rem3A_144 : i32 to index
        %parallel_loop3A_419 = arith.index_cast %parallel_loop3A_417 : i32 to index
        %parallel_loop3A_420 = arith.index_cast %parallel_loop3A_180 : i32 to index
        %parallel_loop3A_421 = arith.constant 48 : index
        %parallel_loop3A_422 = tpu.vector_load %arg6[%parallel_loop3A_418, %parallel_loop3A_419, %parallel_loop3A_420, %parallel_loop3A_421] {strides = array<i32>} : memref<3x4x64x128xf32, #tpu.memory_space<vmem>>, vector<1x1x1x16xf32>,
        %parallel_loop3A_423 = vector.shape_cast %parallel_loop3A_422 : vector<1x1x1x16xf32> to vector<16xf32>
        %parallel_loop3A_424 = vector.shape_cast %parallel_loop3A_416 : vector<16xf32> to vector<1x1x1x16xf32>
        tpu.vector_store %arg6[%parallel_loop3A_418, %parallel_loop3A_419, %parallel_loop3A_420, %parallel_loop3A_421], %parallel_loop3A_424 {strides = array<i32>} : memref<3x4x64x128xf32, #tpu.memory_space<vmem>>, vector<1x1x1x16xf32>,
        %parallel_loop3A_425 = arith.constant 2 : i32
        %parallel_loop3A_426 = arith.index_cast %rem3A_144 : i32 to index
        %parallel_loop3A_427 = arith.index_cast %parallel_loop3A_425 : i32 to index
        %parallel_loop3A_428 = arith.index_cast %parallel_loop3A_180 : i32 to index
        %parallel_loop3A_429 = arith.constant 48 : index
        %parallel_loop3A_430 = tpu.vector_load %arg6[%parallel_loop3A_426, %parallel_loop3A_427, %parallel_loop3A_428, %parallel_loop3A_429] {strides = array<i32>} : memref<3x4x64x128xf32, #tpu.memory_space<vmem>>, vector<1x1x1x16xf32>,
        %parallel_loop3A_431 = vector.shape_cast %parallel_loop3A_430 : vector<1x1x1x16xf32> to vector<16xf32>
        %parallel_loop3A_432 = arith.addf %parallel_loop3A_431, %parallel_loop3A_392 : vector<16xf32>
        %parallel_loop3A_433 = arith.constant 2 : i32
        %parallel_loop3A_434 = arith.index_cast %rem3A_144 : i32 to index
        %parallel_loop3A_435 = arith.index_cast %parallel_loop3A_433 : i32 to index
        %parallel_loop3A_436 = arith.index_cast %parallel_loop3A_180 : i32 to index
        %parallel_loop3A_437 = arith.constant 48 : index
        %parallel_loop3A_438 = tpu.vector_load %arg6[%parallel_loop3A_434, %parallel_loop3A_435, %parallel_loop3A_436, %parallel_loop3A_437] {strides = array<i32>} : memref<3x4x64x128xf32, #tpu.memory_space<vmem>>, vector<1x1x1x16xf32>,
        %parallel_loop3A_439 = vector.shape_cast %parallel_loop3A_438 : vector<1x1x1x16xf32> to vector<16xf32>
        %parallel_loop3A_440 = vector.shape_cast %parallel_loop3A_432 : vector<16xf32> to vector<1x1x1x16xf32>
        tpu.vector_store %arg6[%parallel_loop3A_434, %parallel_loop3A_435, %parallel_loop3A_436, %parallel_loop3A_437], %parallel_loop3A_440 {strides = array<i32>} : memref<3x4x64x128xf32, #tpu.memory_space<vmem>>, vector<1x1x1x16xf32>,
        %parallel_loop3A_441 = arith.constant 3 : i32
        %parallel_loop3A_442 = arith.index_cast %rem3A_144 : i32 to index
        %parallel_loop3A_443 = arith.index_cast %parallel_loop3A_441 : i32 to index
        %parallel_loop3A_444 = arith.index_cast %parallel_loop3A_180 : i32 to index
        %parallel_loop3A_445 = arith.constant 48 : index
        %parallel_loop3A_446 = tpu.vector_load %arg6[%parallel_loop3A_442, %parallel_loop3A_443, %parallel_loop3A_444, %parallel_loop3A_445] {strides = array<i32>} : memref<3x4x64x128xf32, #tpu.memory_space<vmem>>, vector<1x1x1x16xf32>,
        %parallel_loop3A_447 = vector.shape_cast %parallel_loop3A_446 : vector<1x1x1x16xf32> to vector<16xf32>
        %parallel_loop3A_448 = arith.addf %parallel_loop3A_447, %parallel_loop3A_392 : vector<16xf32>
        %parallel_loop3A_449 = arith.constant 3 : i32
        %parallel_loop3A_450 = arith.index_cast %rem3A_144 : i32 to index
        %parallel_loop3A_451 = arith.index_cast %parallel_loop3A_449 : i32 to index
        %parallel_loop3A_452 = arith.index_cast %parallel_loop3A_180 : i32 to index
        %parallel_loop3A_453 = arith.constant 48 : index
        %parallel_loop3A_454 = tpu.vector_load %arg6[%parallel_loop3A_450, %parallel_loop3A_451, %parallel_loop3A_452, %parallel_loop3A_453] {strides = array<i32>} : memref<3x4x64x128xf32, #tpu.memory_space<vmem>>, vector<1x1x1x16xf32>,
        %parallel_loop3A_455 = vector.shape_cast %parallel_loop3A_454 : vector<1x1x1x16xf32> to vector<16xf32>
        %parallel_loop3A_456 = vector.shape_cast %parallel_loop3A_448 : vector<16xf32> to vector<1x1x1x16xf32>
        tpu.vector_store %arg6[%parallel_loop3A_450, %parallel_loop3A_451, %parallel_loop3A_452, %parallel_loop3A_453], %parallel_loop3A_456 {strides = array<i32>} : memref<3x4x64x128xf32, #tpu.memory_space<vmem>>, vector<1x1x1x16xf32>,
        %parallel_loop3A_457 = arith.index_cast %rem3A_146 : i32 to index
        %parallel_loop3A_458 = arith.index_cast %parallel_loop3A_180 : i32 to index
        %parallel_loop3A_459 = arith.constant 64 : index
        %parallel_loop3A_460 = tpu.vector_load %arg5[%parallel_loop3A_457, %parallel_loop3A_458, %parallel_loop3A_459] {strides = array<i32>} : memref<3x64x128xf32, #tpu.memory_space<vmem>>, vector<1x1x16xf32>,
        %parallel_loop3A_461 = vector.shape_cast %parallel_loop3A_460 : vector<1x1x16xf32> to vector<16xf32>
        %parallel_loop3A_462 = arith.constant 0 : i32
        %parallel_loop3A_463 = arith.index_cast %rem3A_144 : i32 to index
        %parallel_loop3A_464 = arith.index_cast %parallel_loop3A_462 : i32 to index
        %parallel_loop3A_465 = arith.index_cast %parallel_loop3A_180 : i32 to index
        %parallel_loop3A_466 = arith.constant 64 : index
        %parallel_loop3A_467 = tpu.vector_load %arg6[%parallel_loop3A_463, %parallel_loop3A_464, %parallel_loop3A_465, %parallel_loop3A_466] {strides = array<i32>} : memref<3x4x64x128xf32, #tpu.memory_space<vmem>>, vector<1x1x1x16xf32>,
        %parallel_loop3A_468 = vector.shape_cast %parallel_loop3A_467 : vector<1x1x1x16xf32> to vector<16xf32>
        %parallel_loop3A_469 = arith.addf %parallel_loop3A_468, %parallel_loop3A_461 : vector<16xf32>
        %parallel_loop3A_470 = arith.constant 0 : i32
        %parallel_loop3A_471 = arith.index_cast %rem3A_144 : i32 to index
        %parallel_loop3A_472 = arith.index_cast %parallel_loop3A_470 : i32 to index
        %parallel_loop3A_473 = arith.index_cast %parallel_loop3A_180 : i32 to index
        %parallel_loop3A_474 = arith.constant 64 : index
        %parallel_loop3A_475 = tpu.vector_load %arg6[%parallel_loop3A_471, %parallel_loop3A_472, %parallel_loop3A_473, %parallel_loop3A_474] {strides = array<i32>} : memref<3x4x64x128xf32, #tpu.memory_space<vmem>>, vector<1x1x1x16xf32>,
        %parallel_loop3A_476 = vector.shape_cast %parallel_loop3A_475 : vector<1x1x1x16xf32> to vector<16xf32>
        %parallel_loop3A_477 = vector.shape_cast %parallel_loop3A_469 : vector<16xf32> to vector<1x1x1x16xf32>
        tpu.vector_store %arg6[%parallel_loop3A_471, %parallel_loop3A_472, %parallel_loop3A_473, %parallel_loop3A_474], %parallel_loop3A_477 {strides = array<i32>} : memref<3x4x64x128xf32, #tpu.memory_space<vmem>>, vector<1x1x1x16xf32>,
        %parallel_loop3A_478 = arith.constant 1 : i32
        %parallel_loop3A_479 = arith.index_cast %rem3A_144 : i32 to index
        %parallel_loop3A_480 = arith.index_cast %parallel_loop3A_478 : i32 to index
        %parallel_loop3A_481 = arith.index_cast %parallel_loop3A_180 : i32 to index
        %parallel_loop3A_482 = arith.constant 64 : index
        %parallel_loop3A_483 = tpu.vector_load %arg6[%parallel_loop3A_479, %parallel_loop3A_480, %parallel_loop3A_481, %parallel_loop3A_482] {strides = array<i32>} : memref<3x4x64x128xf32, #tpu.memory_space<vmem>>, vector<1x1x1x16xf32>,
        %parallel_loop3A_484 = vector.shape_cast %parallel_loop3A_483 : vector<1x1x1x16xf32> to vector<16xf32>
        %parallel_loop3A_485 = arith.addf %parallel_loop3A_484, %parallel_loop3A_461 : vector<16xf32>
        %parallel_loop3A_486 = arith.constant 1 : i32
        %parallel_loop3A_487 = arith.index_cast %rem3A_144 : i32 to index
        %parallel_loop3A_488 = arith.index_cast %parallel_loop3A_486 : i32 to index
        %parallel_loop3A_489 = arith.index_cast %parallel_loop3A_180 : i32 to index
        %parallel_loop3A_490 = arith.constant 64 : index
        %parallel_loop3A_491 = tpu.vector_load %arg6[%parallel_loop3A_487, %parallel_loop3A_488, %parallel_loop3A_489, %parallel_loop3A_490] {strides = array<i32>} : memref<3x4x64x128xf32, #tpu.memory_space<vmem>>, vector<1x1x1x16xf32>,
        %parallel_loop3A_492 = vector.shape_cast %parallel_loop3A_491 : vector<1x1x1x16xf32> to vector<16xf32>
        %parallel_loop3A_493 = vector.shape_cast %parallel_loop3A_485 : vector<16xf32> to vector<1x1x1x16xf32>
        tpu.vector_store %arg6[%parallel_loop3A_487, %parallel_loop3A_488, %parallel_loop3A_489, %parallel_loop3A_490], %parallel_loop3A_493 {strides = array<i32>} : memref<3x4x64x128xf32, #tpu.memory_space<vmem>>, vector<1x1x1x16xf32>,
        %parallel_loop3A_494 = arith.constant 2 : i32
        %parallel_loop3A_495 = arith.index_cast %rem3A_144 : i32 to index
        %parallel_loop3A_496 = arith.index_cast %parallel_loop3A_494 : i32 to index
        %parallel_loop3A_497 = arith.index_cast %parallel_loop3A_180 : i32 to index
        %parallel_loop3A_498 = arith.constant 64 : index
        %parallel_loop3A_499 = tpu.vector_load %arg6[%parallel_loop3A_495, %parallel_loop3A_496, %parallel_loop3A_497, %parallel_loop3A_498] {strides = array<i32>} : memref<3x4x64x128xf32, #tpu.memory_space<vmem>>, vector<1x1x1x16xf32>,
        %parallel_loop3A_500 = vector.shape_cast %parallel_loop3A_499 : vector<1x1x1x16xf32> to vector<16xf32>
        %parallel_loop3A_501 = arith.addf %parallel_loop3A_500, %parallel_loop3A_461 : vector<16xf32>
        %parallel_loop3A_502 = arith.constant 2 : i32
        %parallel_loop3A_503 = arith.index_cast %rem3A_144 : i32 to index
        %parallel_loop3A_504 = arith.index_cast %parallel_loop3A_502 : i32 to index
        %parallel_loop3A_505 = arith.index_cast %parallel_loop3A_180 : i32 to index
        %parallel_loop3A_506 = arith.constant 64 : index
        %parallel_loop3A_507 = tpu.vector_load %arg6[%parallel_loop3A_503, %parallel_loop3A_504, %parallel_loop3A_505, %parallel_loop3A_506] {strides = array<i32>} : memref<3x4x64x128xf32, #tpu.memory_space<vmem>>, vector<1x1x1x16xf32>,
        %parallel_loop3A_508 = vector.shape_cast %parallel_loop3A_507 : vector<1x1x1x16xf32> to vector<16xf32>
        %parallel_loop3A_509 = vector.shape_cast %parallel_loop3A_501 : vector<16xf32> to vector<1x1x1x16xf32>
        tpu.vector_store %arg6[%parallel_loop3A_503, %parallel_loop3A_504, %parallel_loop3A_505, %parallel_loop3A_506], %parallel_loop3A_509 {strides = array<i32>} : memref<3x4x64x128xf32, #tpu.memory_space<vmem>>, vector<1x1x1x16xf32>,
        %parallel_loop3A_510 = arith.constant 3 : i32
        %parallel_loop3A_511 = arith.index_cast %rem3A_144 : i32 to index
        %parallel_loop3A_512 = arith.index_cast %parallel_loop3A_510 : i32 to index
        %parallel_loop3A_513 = arith.index_cast %parallel_loop3A_180 : i32 to index
        %parallel_loop3A_514 = arith.constant 64 : index
        %parallel_loop3A_515 = tpu.vector_load %arg6[%parallel_loop3A_511, %parallel_loop3A_512, %parallel_loop3A_513, %parallel_loop3A_514] {strides = array<i32>} : memref<3x4x64x128xf32, #tpu.memory_space<vmem>>, vector<1x1x1x16xf32>,
        %parallel_loop3A_516 = vector.shape_cast %parallel_loop3A_515 : vector<1x1x1x16xf32> to vector<16xf32>
        %parallel_loop3A_517 = arith.addf %parallel_loop3A_516, %parallel_loop3A_461 : vector<16xf32>
        %parallel_loop3A_518 = arith.constant 3 : i32
        %parallel_loop3A_519 = arith.index_cast %rem3A_144 : i32 to index
        %parallel_loop3A_520 = arith.index_cast %parallel_loop3A_518 : i32 to index
        %parallel_loop3A_521 = arith.index_cast %parallel_loop3A_180 : i32 to index
        %parallel_loop3A_522 = arith.constant 64 : index
        %parallel_loop3A_523 = tpu.vector_load %arg6[%parallel_loop3A_519, %parallel_loop3A_520, %parallel_loop3A_521, %parallel_loop3A_522] {strides = array<i32>} : memref<3x4x64x128xf32, #tpu.memory_space<vmem>>, vector<1x1x1x16xf32>,
        %parallel_loop3A_524 = vector.shape_cast %parallel_loop3A_523 : vector<1x1x1x16xf32> to vector<16xf32>
        %parallel_loop3A_525 = vector.shape_cast %parallel_loop3A_517 : vector<16xf32> to vector<1x1x1x16xf32>
        tpu.vector_store %arg6[%parallel_loop3A_519, %parallel_loop3A_520, %parallel_loop3A_521, %parallel_loop3A_522], %parallel_loop3A_525 {strides = array<i32>} : memref<3x4x64x128xf32, #tpu.memory_space<vmem>>, vector<1x1x1x16xf32>,
        %parallel_loop3A_526 = arith.index_cast %rem3A_146 : i32 to index
        %parallel_loop3A_527 = arith.index_cast %parallel_loop3A_180 : i32 to index
        %parallel_loop3A_528 = arith.constant 80 : index
        %parallel_loop3A_529 = tpu.vector_load %arg5[%parallel_loop3A_526, %parallel_loop3A_527, %parallel_loop3A_528] {strides = array<i32>} : memref<3x64x128xf32, #tpu.memory_space<vmem>>, vector<1x1x16xf32>,
        %parallel_loop3A_530 = vector.shape_cast %parallel_loop3A_529 : vector<1x1x16xf32> to vector<16xf32>
        %parallel_loop3A_531 = arith.constant 0 : i32
        %parallel_loop3A_532 = arith.index_cast %rem3A_144 : i32 to index
        %parallel_loop3A_533 = arith.index_cast %parallel_loop3A_531 : i32 to index
        %parallel_loop3A_534 = arith.index_cast %parallel_loop3A_180 : i32 to index
        %parallel_loop3A_535 = arith.constant 80 : index
        %parallel_loop3A_536 = tpu.vector_load %arg6[%parallel_loop3A_532, %parallel_loop3A_533, %parallel_loop3A_534, %parallel_loop3A_535] {strides = array<i32>} : memref<3x4x64x128xf32, #tpu.memory_space<vmem>>, vector<1x1x1x16xf32>,
        %parallel_loop3A_537 = vector.shape_cast %parallel_loop3A_536 : vector<1x1x1x16xf32> to vector<16xf32>
        %parallel_loop3A_538 = arith.addf %parallel_loop3A_537, %parallel_loop3A_530 : vector<16xf32>
        %parallel_loop3A_539 = arith.constant 0 : i32
        %parallel_loop3A_540 = arith.index_cast %rem3A_144 : i32 to index
        %parallel_loop3A_541 = arith.index_cast %parallel_loop3A_539 : i32 to index
        %parallel_loop3A_542 = arith.index_cast %parallel_loop3A_180 : i32 to index
        %parallel_loop3A_543 = arith.constant 80 : index
        %parallel_loop3A_544 = tpu.vector_load %arg6[%parallel_loop3A_540, %parallel_loop3A_541, %parallel_loop3A_542, %parallel_loop3A_543] {strides = array<i32>} : memref<3x4x64x128xf32, #tpu.memory_space<vmem>>, vector<1x1x1x16xf32>,
        %parallel_loop3A_545 = vector.shape_cast %parallel_loop3A_544 : vector<1x1x1x16xf32> to vector<16xf32>
        %parallel_loop3A_546 = vector.shape_cast %parallel_loop3A_538 : vector<16xf32> to vector<1x1x1x16xf32>
        tpu.vector_store %arg6[%parallel_loop3A_540, %parallel_loop3A_541, %parallel_loop3A_542, %parallel_loop3A_543], %parallel_loop3A_546 {strides = array<i32>} : memref<3x4x64x128xf32, #tpu.memory_space<vmem>>, vector<1x1x1x16xf32>,
        %parallel_loop3A_547 = arith.constant 1 : i32
        %parallel_loop3A_548 = arith.index_cast %rem3A_144 : i32 to index
        %parallel_loop3A_549 = arith.index_cast %parallel_loop3A_547 : i32 to index
        %parallel_loop3A_550 = arith.index_cast %parallel_loop3A_180 : i32 to index
        %parallel_loop3A_551 = arith.constant 80 : index
        %parallel_loop3A_552 = tpu.vector_load %arg6[%parallel_loop3A_548, %parallel_loop3A_549, %parallel_loop3A_550, %parallel_loop3A_551] {strides = array<i32>} : memref<3x4x64x128xf32, #tpu.memory_space<vmem>>, vector<1x1x1x16xf32>,
        %parallel_loop3A_553 = vector.shape_cast %parallel_loop3A_552 : vector<1x1x1x16xf32> to vector<16xf32>
        %parallel_loop3A_554 = arith.addf %parallel_loop3A_553, %parallel_loop3A_530 : vector<16xf32>
        %parallel_loop3A_555 = arith.constant 1 : i32
        %parallel_loop3A_556 = arith.index_cast %rem3A_144 : i32 to index
        %parallel_loop3A_557 = arith.index_cast %parallel_loop3A_555 : i32 to index
        %parallel_loop3A_558 = arith.index_cast %parallel_loop3A_180 : i32 to index
        %parallel_loop3A_559 = arith.constant 80 : index
        %parallel_loop3A_560 = tpu.vector_load %arg6[%parallel_loop3A_556, %parallel_loop3A_557, %parallel_loop3A_558, %parallel_loop3A_559] {strides = array<i32>} : memref<3x4x64x128xf32, #tpu.memory_space<vmem>>, vector<1x1x1x16xf32>,
        %parallel_loop3A_561 = vector.shape_cast %parallel_loop3A_560 : vector<1x1x1x16xf32> to vector<16xf32>
        %parallel_loop3A_562 = vector.shape_cast %parallel_loop3A_554 : vector<16xf32> to vector<1x1x1x16xf32>
        tpu.vector_store %arg6[%parallel_loop3A_556, %parallel_loop3A_557, %parallel_loop3A_558, %parallel_loop3A_559], %parallel_loop3A_562 {strides = array<i32>} : memref<3x4x64x128xf32, #tpu.memory_space<vmem>>, vector<1x1x1x16xf32>,
        %parallel_loop3A_563 = arith.constant 2 : i32
        %parallel_loop3A_564 = arith.index_cast %rem3A_144 : i32 to index
        %parallel_loop3A_565 = arith.index_cast %parallel_loop3A_563 : i32 to index
        %parallel_loop3A_566 = arith.index_cast %parallel_loop3A_180 : i32 to index
        %parallel_loop3A_567 = arith.constant 80 : index
        %parallel_loop3A_568 = tpu.vector_load %arg6[%parallel_loop3A_564, %parallel_loop3A_565, %parallel_loop3A_566, %parallel_loop3A_567] {strides = array<i32>} : memref<3x4x64x128xf32, #tpu.memory_space<vmem>>, vector<1x1x1x16xf32>,
        %parallel_loop3A_569 = vector.shape_cast %parallel_loop3A_568 : vector<1x1x1x16xf32> to vector<16xf32>
        %parallel_loop3A_570 = arith.addf %parallel_loop3A_569, %parallel_loop3A_530 : vector<16xf32>
        %parallel_loop3A_571 = arith.constant 2 : i32
        %parallel_loop3A_572 = arith.index_cast %rem3A_144 : i32 to index
        %parallel_loop3A_573 = arith.index_cast %parallel_loop3A_571 : i32 to index
        %parallel_loop3A_574 = arith.index_cast %parallel_loop3A_180 : i32 to index
        %parallel_loop3A_575 = arith.constant 80 : index
        %parallel_loop3A_576 = tpu.vector_load %arg6[%parallel_loop3A_572, %parallel_loop3A_573, %parallel_loop3A_574, %parallel_loop3A_575] {strides = array<i32>} : memref<3x4x64x128xf32, #tpu.memory_space<vmem>>, vector<1x1x1x16xf32>,
        %parallel_loop3A_577 = vector.shape_cast %parallel_loop3A_576 : vector<1x1x1x16xf32> to vector<16xf32>
        %parallel_loop3A_578 = vector.shape_cast %parallel_loop3A_570 : vector<16xf32> to vector<1x1x1x16xf32>
        tpu.vector_store %arg6[%parallel_loop3A_572, %parallel_loop3A_573, %parallel_loop3A_574, %parallel_loop3A_575], %parallel_loop3A_578 {strides = array<i32>} : memref<3x4x64x128xf32, #tpu.memory_space<vmem>>, vector<1x1x1x16xf32>,
        %parallel_loop3A_579 = arith.constant 3 : i32
        %parallel_loop3A_580 = arith.index_cast %rem3A_144 : i32 to index
        %parallel_loop3A_581 = arith.index_cast %parallel_loop3A_579 : i32 to index
        %parallel_loop3A_582 = arith.index_cast %parallel_loop3A_180 : i32 to index
        %parallel_loop3A_583 = arith.constant 80 : index
        %parallel_loop3A_584 = tpu.vector_load %arg6[%parallel_loop3A_580, %parallel_loop3A_581, %parallel_loop3A_582, %parallel_loop3A_583] {strides = array<i32>} : memref<3x4x64x128xf32, #tpu.memory_space<vmem>>, vector<1x1x1x16xf32>,
        %parallel_loop3A_585 = vector.shape_cast %parallel_loop3A_584 : vector<1x1x1x16xf32> to vector<16xf32>
        %parallel_loop3A_586 = arith.addf %parallel_loop3A_585, %parallel_loop3A_530 : vector<16xf32>
        %parallel_loop3A_587 = arith.constant 3 : i32
        %parallel_loop3A_588 = arith.index_cast %rem3A_144 : i32 to index
        %parallel_loop3A_589 = arith.index_cast %parallel_loop3A_587 : i32 to index
        %parallel_loop3A_590 = arith.index_cast %parallel_loop3A_180 : i32 to index
        %parallel_loop3A_591 = arith.constant 80 : index
        %parallel_loop3A_592 = tpu.vector_load %arg6[%parallel_loop3A_588, %parallel_loop3A_589, %parallel_loop3A_590, %parallel_loop3A_591] {strides = array<i32>} : memref<3x4x64x128xf32, #tpu.memory_space<vmem>>, vector<1x1x1x16xf32>,
        %parallel_loop3A_593 = vector.shape_cast %parallel_loop3A_592 : vector<1x1x1x16xf32> to vector<16xf32>
        %parallel_loop3A_594 = vector.shape_cast %parallel_loop3A_586 : vector<16xf32> to vector<1x1x1x16xf32>
        tpu.vector_store %arg6[%parallel_loop3A_588, %parallel_loop3A_589, %parallel_loop3A_590, %parallel_loop3A_591], %parallel_loop3A_594 {strides = array<i32>} : memref<3x4x64x128xf32, #tpu.memory_space<vmem>>, vector<1x1x1x16xf32>,
        %parallel_loop3A_595 = arith.index_cast %rem3A_146 : i32 to index
        %parallel_loop3A_596 = arith.index_cast %parallel_loop3A_180 : i32 to index
        %parallel_loop3A_597 = arith.constant 96 : index
        %parallel_loop3A_598 = tpu.vector_load %arg5[%parallel_loop3A_595, %parallel_loop3A_596, %parallel_loop3A_597] {strides = array<i32>} : memref<3x64x128xf32, #tpu.memory_space<vmem>>, vector<1x1x16xf32>,
        %parallel_loop3A_599 = vector.shape_cast %parallel_loop3A_598 : vector<1x1x16xf32> to vector<16xf32>
        %parallel_loop3A_600 = arith.constant 0 : i32
        %parallel_loop3A_601 = arith.index_cast %rem3A_144 : i32 to index
        %parallel_loop3A_602 = arith.index_cast %parallel_loop3A_600 : i32 to index
        %parallel_loop3A_603 = arith.index_cast %parallel_loop3A_180 : i32 to index
        %parallel_loop3A_604 = arith.constant 96 : index
        %parallel_loop3A_605 = tpu.vector_load %arg6[%parallel_loop3A_601, %parallel_loop3A_602, %parallel_loop3A_603, %parallel_loop3A_604] {strides = array<i32>} : memref<3x4x64x128xf32, #tpu.memory_space<vmem>>, vector<1x1x1x16xf32>,
        %parallel_loop3A_606 = vector.shape_cast %parallel_loop3A_605 : vector<1x1x1x16xf32> to vector<16xf32>
        %parallel_loop3A_607 = arith.addf %parallel_loop3A_606, %parallel_loop3A_599 : vector<16xf32>
        %parallel_loop3A_608 = arith.constant 0 : i32
        %parallel_loop3A_609 = arith.index_cast %rem3A_144 : i32 to index
        %parallel_loop3A_610 = arith.index_cast %parallel_loop3A_608 : i32 to index
        %parallel_loop3A_611 = arith.index_cast %parallel_loop3A_180 : i32 to index
        %parallel_loop3A_612 = arith.constant 96 : index
        %parallel_loop3A_613 = tpu.vector_load %arg6[%parallel_loop3A_609, %parallel_loop3A_610, %parallel_loop3A_611, %parallel_loop3A_612] {strides = array<i32>} : memref<3x4x64x128xf32, #tpu.memory_space<vmem>>, vector<1x1x1x16xf32>,
        %parallel_loop3A_614 = vector.shape_cast %parallel_loop3A_613 : vector<1x1x1x16xf32> to vector<16xf32>
        %parallel_loop3A_615 = vector.shape_cast %parallel_loop3A_607 : vector<16xf32> to vector<1x1x1x16xf32>
        tpu.vector_store %arg6[%parallel_loop3A_609, %parallel_loop3A_610, %parallel_loop3A_611, %parallel_loop3A_612], %parallel_loop3A_615 {strides = array<i32>} : memref<3x4x64x128xf32, #tpu.memory_space<vmem>>, vector<1x1x1x16xf32>,
        %parallel_loop3A_616 = arith.constant 1 : i32
        %parallel_loop3A_617 = arith.index_cast %rem3A_144 : i32 to index
        %parallel_loop3A_618 = arith.index_cast %parallel_loop3A_616 : i32 to index
        %parallel_loop3A_619 = arith.index_cast %parallel_loop3A_180 : i32 to index
        %parallel_loop3A_620 = arith.constant 96 : index
        %parallel_loop3A_621 = tpu.vector_load %arg6[%parallel_loop3A_617, %parallel_loop3A_618, %parallel_loop3A_619, %parallel_loop3A_620] {strides = array<i32>} : memref<3x4x64x128xf32, #tpu.memory_space<vmem>>, vector<1x1x1x16xf32>,
        %parallel_loop3A_622 = vector.shape_cast %parallel_loop3A_621 : vector<1x1x1x16xf32> to vector<16xf32>
        %parallel_loop3A_623 = arith.addf %parallel_loop3A_622, %parallel_loop3A_599 : vector<16xf32>
        %parallel_loop3A_624 = arith.constant 1 : i32
        %parallel_loop3A_625 = arith.index_cast %rem3A_144 : i32 to index
        %parallel_loop3A_626 = arith.index_cast %parallel_loop3A_624 : i32 to index
        %parallel_loop3A_627 = arith.index_cast %parallel_loop3A_180 : i32 to index
        %parallel_loop3A_628 = arith.constant 96 : index
        %parallel_loop3A_629 = tpu.vector_load %arg6[%parallel_loop3A_625, %parallel_loop3A_626, %parallel_loop3A_627, %parallel_loop3A_628] {strides = array<i32>} : memref<3x4x64x128xf32, #tpu.memory_space<vmem>>, vector<1x1x1x16xf32>,
        %parallel_loop3A_630 = vector.shape_cast %parallel_loop3A_629 : vector<1x1x1x16xf32> to vector<16xf32>
        %parallel_loop3A_631 = vector.shape_cast %parallel_loop3A_623 : vector<16xf32> to vector<1x1x1x16xf32>
        tpu.vector_store %arg6[%parallel_loop3A_625, %parallel_loop3A_626, %parallel_loop3A_627, %parallel_loop3A_628], %parallel_loop3A_631 {strides = array<i32>} : memref<3x4x64x128xf32, #tpu.memory_space<vmem>>, vector<1x1x1x16xf32>,
        %parallel_loop3A_632 = arith.constant 2 : i32
        %parallel_loop3A_633 = arith.index_cast %rem3A_144 : i32 to index
        %parallel_loop3A_634 = arith.index_cast %parallel_loop3A_632 : i32 to index
        %parallel_loop3A_635 = arith.index_cast %parallel_loop3A_180 : i32 to index
        %parallel_loop3A_636 = arith.constant 96 : index
        %parallel_loop3A_637 = tpu.vector_load %arg6[%parallel_loop3A_633, %parallel_loop3A_634, %parallel_loop3A_635, %parallel_loop3A_636] {strides = array<i32>} : memref<3x4x64x128xf32, #tpu.memory_space<vmem>>, vector<1x1x1x16xf32>,
        %parallel_loop3A_638 = vector.shape_cast %parallel_loop3A_637 : vector<1x1x1x16xf32> to vector<16xf32>
        %parallel_loop3A_639 = arith.addf %parallel_loop3A_638, %parallel_loop3A_599 : vector<16xf32>
        %parallel_loop3A_640 = arith.constant 2 : i32
        %parallel_loop3A_641 = arith.index_cast %rem3A_144 : i32 to index
        %parallel_loop3A_642 = arith.index_cast %parallel_loop3A_640 : i32 to index
        %parallel_loop3A_643 = arith.index_cast %parallel_loop3A_180 : i32 to index
        %parallel_loop3A_644 = arith.constant 96 : index
        %parallel_loop3A_645 = tpu.vector_load %arg6[%parallel_loop3A_641, %parallel_loop3A_642, %parallel_loop3A_643, %parallel_loop3A_644] {strides = array<i32>} : memref<3x4x64x128xf32, #tpu.memory_space<vmem>>, vector<1x1x1x16xf32>,
        %parallel_loop3A_646 = vector.shape_cast %parallel_loop3A_645 : vector<1x1x1x16xf32> to vector<16xf32>
        %parallel_loop3A_647 = vector.shape_cast %parallel_loop3A_639 : vector<16xf32> to vector<1x1x1x16xf32>
        tpu.vector_store %arg6[%parallel_loop3A_641, %parallel_loop3A_642, %parallel_loop3A_643, %parallel_loop3A_644], %parallel_loop3A_647 {strides = array<i32>} : memref<3x4x64x128xf32, #tpu.memory_space<vmem>>, vector<1x1x1x16xf32>,
        %parallel_loop3A_648 = arith.constant 3 : i32
        %parallel_loop3A_649 = arith.index_cast %rem3A_144 : i32 to index
        %parallel_loop3A_650 = arith.index_cast %parallel_loop3A_648 : i32 to index
        %parallel_loop3A_651 = arith.index_cast %parallel_loop3A_180 : i32 to index
        %parallel_loop3A_652 = arith.constant 96 : index
        %parallel_loop3A_653 = tpu.vector_load %arg6[%parallel_loop3A_649, %parallel_loop3A_650, %parallel_loop3A_651, %parallel_loop3A_652] {strides = array<i32>} : memref<3x4x64x128xf32, #tpu.memory_space<vmem>>, vector<1x1x1x16xf32>,
        %parallel_loop3A_654 = vector.shape_cast %parallel_loop3A_653 : vector<1x1x1x16xf32> to vector<16xf32>
        %parallel_loop3A_655 = arith.addf %parallel_loop3A_654, %parallel_loop3A_599 : vector<16xf32>
        %parallel_loop3A_656 = arith.constant 3 : i32
        %parallel_loop3A_657 = arith.index_cast %rem3A_144 : i32 to index
        %parallel_loop3A_658 = arith.index_cast %parallel_loop3A_656 : i32 to index
        %parallel_loop3A_659 = arith.index_cast %parallel_loop3A_180 : i32 to index
        %parallel_loop3A_660 = arith.constant 96 : index
        %parallel_loop3A_661 = tpu.vector_load %arg6[%parallel_loop3A_657, %parallel_loop3A_658, %parallel_loop3A_659, %parallel_loop3A_660] {strides = array<i32>} : memref<3x4x64x128xf32, #tpu.memory_space<vmem>>, vector<1x1x1x16xf32>,
        %parallel_loop3A_662 = vector.shape_cast %parallel_loop3A_661 : vector<1x1x1x16xf32> to vector<16xf32>
        %parallel_loop3A_663 = vector.shape_cast %parallel_loop3A_655 : vector<16xf32> to vector<1x1x1x16xf32>
        tpu.vector_store %arg6[%parallel_loop3A_657, %parallel_loop3A_658, %parallel_loop3A_659, %parallel_loop3A_660], %parallel_loop3A_663 {strides = array<i32>} : memref<3x4x64x128xf32, #tpu.memory_space<vmem>>, vector<1x1x1x16xf32>,
        %parallel_loop3A_664 = arith.index_cast %rem3A_146 : i32 to index
        %parallel_loop3A_665 = arith.index_cast %parallel_loop3A_180 : i32 to index
        %parallel_loop3A_666 = arith.constant 112 : index
        %parallel_loop3A_667 = tpu.vector_load %arg5[%parallel_loop3A_664, %parallel_loop3A_665, %parallel_loop3A_666] {strides = array<i32>} : memref<3x64x128xf32, #tpu.memory_space<vmem>>, vector<1x1x16xf32>,
        %parallel_loop3A_668 = vector.shape_cast %parallel_loop3A_667 : vector<1x1x16xf32> to vector<16xf32>
        %parallel_loop3A_669 = arith.constant 0 : i32
        %parallel_loop3A_670 = arith.index_cast %rem3A_144 : i32 to index
        %parallel_loop3A_671 = arith.index_cast %parallel_loop3A_669 : i32 to index
        %parallel_loop3A_672 = arith.index_cast %parallel_loop3A_180 : i32 to index
        %parallel_loop3A_673 = arith.constant 112 : index
        %parallel_loop3A_674 = tpu.vector_load %arg6[%parallel_loop3A_670, %parallel_loop3A_671, %parallel_loop3A_672, %parallel_loop3A_673] {strides = array<i32>} : memref<3x4x64x128xf32, #tpu.memory_space<vmem>>, vector<1x1x1x16xf32>,
        %parallel_loop3A_675 = vector.shape_cast %parallel_loop3A_674 : vector<1x1x1x16xf32> to vector<16xf32>
        %parallel_loop3A_676 = arith.addf %parallel_loop3A_675, %parallel_loop3A_668 : vector<16xf32>
        %parallel_loop3A_677 = arith.constant 0 : i32
        %parallel_loop3A_678 = arith.index_cast %rem3A_144 : i32 to index
        %parallel_loop3A_679 = arith.index_cast %parallel_loop3A_677 : i32 to index
        %parallel_loop3A_680 = arith.index_cast %parallel_loop3A_180 : i32 to index
        %parallel_loop3A_681 = arith.constant 112 : index
        %parallel_loop3A_682 = tpu.vector_load %arg6[%parallel_loop3A_678, %parallel_loop3A_679, %parallel_loop3A_680, %parallel_loop3A_681] {strides = array<i32>} : memref<3x4x64x128xf32, #tpu.memory_space<vmem>>, vector<1x1x1x16xf32>,
        %parallel_loop3A_683 = vector.shape_cast %parallel_loop3A_682 : vector<1x1x1x16xf32> to vector<16xf32>
        %parallel_loop3A_684 = vector.shape_cast %parallel_loop3A_676 : vector<16xf32> to vector<1x1x1x16xf32>
        tpu.vector_store %arg6[%parallel_loop3A_678, %parallel_loop3A_679, %parallel_loop3A_680, %parallel_loop3A_681], %parallel_loop3A_684 {strides = array<i32>} : memref<3x4x64x128xf32, #tpu.memory_space<vmem>>, vector<1x1x1x16xf32>,
        %parallel_loop3A_685 = arith.constant 1 : i32
        %parallel_loop3A_686 = arith.index_cast %rem3A_144 : i32 to index
        %parallel_loop3A_687 = arith.index_cast %parallel_loop3A_685 : i32 to index
        %parallel_loop3A_688 = arith.index_cast %parallel_loop3A_180 : i32 to index
        %parallel_loop3A_689 = arith.constant 112 : index
        %parallel_loop3A_690 = tpu.vector_load %arg6[%parallel_loop3A_686, %parallel_loop3A_687, %parallel_loop3A_688, %parallel_loop3A_689] {strides = array<i32>} : memref<3x4x64x128xf32, #tpu.memory_space<vmem>>, vector<1x1x1x16xf32>,
        %parallel_loop3A_691 = vector.shape_cast %parallel_loop3A_690 : vector<1x1x1x16xf32> to vector<16xf32>
        %parallel_loop3A_692 = arith.addf %parallel_loop3A_691, %parallel_loop3A_668 : vector<16xf32>
        %parallel_loop3A_693 = arith.constant 1 : i32
        %parallel_loop3A_694 = arith.index_cast %rem3A_144 : i32 to index
        %parallel_loop3A_695 = arith.index_cast %parallel_loop3A_693 : i32 to index
        %parallel_loop3A_696 = arith.index_cast %parallel_loop3A_180 : i32 to index
        %parallel_loop3A_697 = arith.constant 112 : index
        %parallel_loop3A_698 = tpu.vector_load %arg6[%parallel_loop3A_694, %parallel_loop3A_695, %parallel_loop3A_696, %parallel_loop3A_697] {strides = array<i32>} : memref<3x4x64x128xf32, #tpu.memory_space<vmem>>, vector<1x1x1x16xf32>,
        %parallel_loop3A_699 = vector.shape_cast %parallel_loop3A_698 : vector<1x1x1x16xf32> to vector<16xf32>
        %parallel_loop3A_700 = vector.shape_cast %parallel_loop3A_692 : vector<16xf32> to vector<1x1x1x16xf32>
        tpu.vector_store %arg6[%parallel_loop3A_694, %parallel_loop3A_695, %parallel_loop3A_696, %parallel_loop3A_697], %parallel_loop3A_700 {strides = array<i32>} : memref<3x4x64x128xf32, #tpu.memory_space<vmem>>, vector<1x1x1x16xf32>,
        %parallel_loop3A_701 = arith.constant 2 : i32
        %parallel_loop3A_702 = arith.index_cast %rem3A_144 : i32 to index
        %parallel_loop3A_703 = arith.index_cast %parallel_loop3A_701 : i32 to index
        %parallel_loop3A_704 = arith.index_cast %parallel_loop3A_180 : i32 to index
        %parallel_loop3A_705 = arith.constant 112 : index
        %parallel_loop3A_706 = tpu.vector_load %arg6[%parallel_loop3A_702, %parallel_loop3A_703, %parallel_loop3A_704, %parallel_loop3A_705] {strides = array<i32>} : memref<3x4x64x128xf32, #tpu.memory_space<vmem>>, vector<1x1x1x16xf32>,
        %parallel_loop3A_707 = vector.shape_cast %parallel_loop3A_706 : vector<1x1x1x16xf32> to vector<16xf32>
        %parallel_loop3A_708 = arith.addf %parallel_loop3A_707, %parallel_loop3A_668 : vector<16xf32>
        %parallel_loop3A_709 = arith.constant 2 : i32
        %parallel_loop3A_710 = arith.index_cast %rem3A_144 : i32 to index
        %parallel_loop3A_711 = arith.index_cast %parallel_loop3A_709 : i32 to index
        %parallel_loop3A_712 = arith.index_cast %parallel_loop3A_180 : i32 to index
        %parallel_loop3A_713 = arith.constant 112 : index
        %parallel_loop3A_714 = tpu.vector_load %arg6[%parallel_loop3A_710, %parallel_loop3A_711, %parallel_loop3A_712, %parallel_loop3A_713] {strides = array<i32>} : memref<3x4x64x128xf32, #tpu.memory_space<vmem>>, vector<1x1x1x16xf32>,
        %parallel_loop3A_715 = vector.shape_cast %parallel_loop3A_714 : vector<1x1x1x16xf32> to vector<16xf32>
        %parallel_loop3A_716 = vector.shape_cast %parallel_loop3A_708 : vector<16xf32> to vector<1x1x1x16xf32>
        tpu.vector_store %arg6[%parallel_loop3A_710, %parallel_loop3A_711, %parallel_loop3A_712, %parallel_loop3A_713], %parallel_loop3A_716 {strides = array<i32>} : memref<3x4x64x128xf32, #tpu.memory_space<vmem>>, vector<1x1x1x16xf32>,
        %parallel_loop3A_717 = arith.constant 3 : i32
        %parallel_loop3A_718 = arith.index_cast %rem3A_144 : i32 to index
        %parallel_loop3A_719 = arith.index_cast %parallel_loop3A_717 : i32 to index
        %parallel_loop3A_720 = arith.index_cast %parallel_loop3A_180 : i32 to index
        %parallel_loop3A_721 = arith.constant 112 : index
        %parallel_loop3A_722 = tpu.vector_load %arg6[%parallel_loop3A_718, %parallel_loop3A_719, %parallel_loop3A_720, %parallel_loop3A_721] {strides = array<i32>} : memref<3x4x64x128xf32, #tpu.memory_space<vmem>>, vector<1x1x1x16xf32>,
        %parallel_loop3A_723 = vector.shape_cast %parallel_loop3A_722 : vector<1x1x1x16xf32> to vector<16xf32>
        %parallel_loop3A_724 = arith.addf %parallel_loop3A_723, %parallel_loop3A_668 : vector<16xf32>
        %parallel_loop3A_725 = arith.constant 3 : i32
        %parallel_loop3A_726 = arith.index_cast %rem3A_144 : i32 to index
        %parallel_loop3A_727 = arith.index_cast %parallel_loop3A_725 : i32 to index
        %parallel_loop3A_728 = arith.index_cast %parallel_loop3A_180 : i32 to index
        %parallel_loop3A_729 = arith.constant 112 : index
        %parallel_loop3A_730 = tpu.vector_load %arg6[%parallel_loop3A_726, %parallel_loop3A_727, %parallel_loop3A_728, %parallel_loop3A_729] {strides = array<i32>} : memref<3x4x64x128xf32, #tpu.memory_space<vmem>>, vector<1x1x1x16xf32>,
        %parallel_loop3A_731 = vector.shape_cast %parallel_loop3A_730 : vector<1x1x1x16xf32> to vector<16xf32>
        %parallel_loop3A_732 = vector.shape_cast %parallel_loop3A_724 : vector<16xf32> to vector<1x1x1x16xf32>
        tpu.vector_store %arg6[%parallel_loop3A_726, %parallel_loop3A_727, %parallel_loop3A_728, %parallel_loop3A_729], %parallel_loop3A_732 {strides = array<i32>} : memref<3x4x64x128xf32, #tpu.memory_space<vmem>>, vector<1x1x1x16xf32>,
      } {sc.loop_unroll_factor = 4 : i64, sc.parallel_access}
      %mul3A_149 = arith.constant 8 : i32
      %mul3A_150 = arith.muli %scan3A_100, %mul3A_149 : i32
      %add3A_151 = arith.addi %mul3A_2, %mul3A_150 : i32
      %mul3A_152 = arith.constant 8 : i32
      %mul3A_153 = arith.muli %add3A_151, %mul3A_152 : i32
      %rem3A_154 = arith.constant 3 : i32
      %rem3A_155 = arith.remsi %scan3A_100, %rem3A_154 : i32
      %dma_start3A_156 = arith.constant 0 : i32
      %dma_start3A_157 = arith.constant 0 : i32
      %dma_start3A_158 = arith.constant 0 : i32
      %dma_start3A_159 = tpu.memref_slice %arg6[%rem3A_155, %dma_start3A_156, %dma_start3A_157, %dma_start3A_158] : memref<3x4x64x128xf32, #tpu.memory_space<vmem>> -> memref<1x4x64x128xf32, #tpu.memory_space<vmem>>
      %dma_start3A_160 = tpu.memref_squeeze %dma_start3A_159 : memref<1x4x64x128xf32, #tpu.memory_space<vmem>> -> memref<4x64x128xf32, #tpu.memory_space<vmem>>
      %dma_start3A_161 = arith.constant 0 : i32
      %dma_start3A_162 = arith.constant 0 : i32
      %dma_start3A_163 = tpu.memref_slice %arg4[%dma_start3A_161, %mul3A_153, %dma_start3A_162] : memref<4x65536x128xf32, #tpu.memory_space<hbm>> -> memref<4x64x128xf32, #tpu.memory_space<hbm>>
      %dma_start3A_164 = arith.constant 0 : i32
      %dma_start3A_165 = arith.constant 0 : i32
      %dma_start3A_166 = tpu.memref_slice %arg4[%dma_start3A_164, %mul3A_153, %dma_start3A_165] : memref<4x65536x128xf32, #tpu.memory_space<hbm>> -> memref<4x64x128xf32, #tpu.memory_space<hbm>>
      %dma_start3A_167 = arith.constant 0 : i32
      %dma_start3A_168 = arith.constant 0 : i32
      %dma_start3A_169 = arith.constant 0 : i32
      %dma_start3A_170 = tpu.memref_slice %arg6[%rem3A_155, %dma_start3A_167, %dma_start3A_168, %dma_start3A_169] : memref<3x4x64x128xf32, #tpu.memory_space<vmem>> -> memref<1x4x64x128xf32, #tpu.memory_space<vmem>>
      %dma_start3A_171 = tpu.memref_squeeze %dma_start3A_170 : memref<1x4x64x128xf32, #tpu.memory_space<vmem>> -> memref<4x64x128xf32, #tpu.memory_space<vmem>>
      tpu.enqueue_dma source(%dma_start3A_171 : memref<4x64x128xf32, #tpu.memory_space<vmem>>) target(%dma_start3A_166 : memref<4x64x128xf32, #tpu.memory_space<hbm>>) target_semaphore(%arg9 : memref<!tpu.dma_semaphore, #tpu.memory_space<semaphore_mem>>)
      %ge3A = arith.constant 1 : i32
      %ge3A_172 = arith.cmpi sge, %scan3A_100, %ge3A : i32
      %convert_element_type3A = arith.extui %ge3A_172 : i1 to i32
      %cond3A = arith.constant 0 : i32
      %cond3A_173 = arith.cmpi ne, %convert_element_type3A, %cond3A : i32
      scf.if %cond3A_173 {
        %dma_wait3A_180 = arith.constant 0 : i32
        %dma_wait3A_181 = arith.constant 0 : i32
        %dma_wait3A_182 = arith.constant 0 : i32
        %dma_wait3A_183 = arith.constant 0 : i32
        %dma_wait3A_184 = tpu.memref_slice %arg6[%dma_wait3A_180, %dma_wait3A_181, %dma_wait3A_182, %dma_wait3A_183] : memref<3x4x64x128xf32, #tpu.memory_space<vmem>> -> memref<1x4x64x128xf32, #tpu.memory_space<vmem>>
        %dma_wait3A_185 = tpu.memref_squeeze %dma_wait3A_184 : memref<1x4x64x128xf32, #tpu.memory_space<vmem>> -> memref<4x64x128xf32, #tpu.memory_space<vmem>>
        %dma_wait3A_186 = arith.constant 0 : i32
        %dma_wait3A_187 = arith.constant 0 : i32
        %dma_wait3A_188 = arith.constant 0 : i32
        %dma_wait3A_189 = tpu.memref_slice %arg4[%dma_wait3A_186, %dma_wait3A_187, %dma_wait3A_188] : memref<4x65536x128xf32, #tpu.memory_space<hbm>> -> memref<4x64x128xf32, #tpu.memory_space<hbm>>
        %dma_wait3A_190 = arith.constant 0 : i32
        %dma_wait3A_191 = arith.constant 0 : i32
        %dma_wait3A_192 = arith.constant 0 : i32
        %dma_wait3A_193 = tpu.memref_slice %arg4[%dma_wait3A_190, %dma_wait3A_191, %dma_wait3A_192] : memref<4x65536x128xf32, #tpu.memory_space<hbm>> -> memref<4x64x128xf32, #tpu.memory_space<hbm>>
        %dma_wait3A_194 = arith.constant 0 : i32
        %dma_wait3A_195 = arith.constant 0 : i32
        %dma_wait3A_196 = arith.constant 0 : i32
        %dma_wait3A_197 = tpu.memref_slice %arg6[%dma_wait3A_180, %dma_wait3A_194, %dma_wait3A_195, %dma_wait3A_196] : memref<3x4x64x128xf32, #tpu.memory_space<vmem>> -> memref<1x4x64x128xf32, #tpu.memory_space<vmem>>
        %dma_wait3A_198 = tpu.memref_squeeze %dma_wait3A_197 : memref<1x4x64x128xf32, #tpu.memory_space<vmem>> -> memref<4x64x128xf32, #tpu.memory_space<vmem>>
        tpu.wait_dma2 semaphore(%arg9 : memref<!tpu.dma_semaphore, #tpu.memory_space<semaphore_mem>>) src(%dma_wait3A_198 : memref<4x64x128xf32, #tpu.memory_space<vmem>>) dst(%dma_wait3A_193 : memref<4x64x128xf32, #tpu.memory_space<hbm>>)
      } else {
      }
      %add3A_174 = arith.constant 2 : i32
      %add3A_175 = arith.addi %scan3A_100, %add3A_174 : i32
      %lt3A = arith.constant 32 : i32
      %lt3A_176 = arith.cmpi slt, %add3A_175, %lt3A : i32
      %convert_element_type3A_177 = arith.extui %lt3A_176 : i1 to i32
      %cond3A_178 = arith.constant 0 : i32
      %cond3A_179 = arith.cmpi ne, %convert_element_type3A_177, %cond3A_178 : i32
      scf.if %cond3A_179 {
        %add3A_180 = arith.constant 2 : i32
        %add3A_181 = arith.addi %scan3A_100, %add3A_180 : i32
        %mul3A_182 = arith.constant 8 : i32
        %mul3A_183 = arith.muli %add3A_181, %mul3A_182 : i32
        %add3A_184 = arith.addi %mul3A_2, %mul3A_183 : i32
        %mul3A_185 = arith.constant 8 : i32
        %mul3A_186 = arith.muli %add3A_184, %mul3A_185 : i32
        %rem3A_187 = arith.constant 3 : i32
        %rem3A_188 = arith.remsi %add3A_181, %rem3A_187 : i32
        %rem3A_189 = arith.constant 3 : i32
        %rem3A_190 = arith.remsi %add3A_181, %rem3A_189 : i32
        %dma_start3A_191 = arith.constant 0 : i32
        %dma_start3A_192 = arith.constant 0 : i32
        %dma_start3A_193 = tpu.memref_slice %arg5[%rem3A_190, %dma_start3A_191, %dma_start3A_192] : memref<3x64x128xf32, #tpu.memory_space<vmem>> -> memref<1x64x128xf32, #tpu.memory_space<vmem>>
        %dma_start3A_194 = tpu.memref_squeeze %dma_start3A_193 : memref<1x64x128xf32, #tpu.memory_space<vmem>> -> memref<64x128xf32, #tpu.memory_space<vmem>>
        %dma_start3A_195 = arith.constant 0 : i32
        %dma_start3A_196 = tpu.memref_slice %arg3[%mul3A_186, %dma_start3A_195] : memref<65536x128xf32, #tpu.memory_space<hbm>> -> memref<64x128xf32, #tpu.memory_space<hbm>>
        %dma_start3A_197 = arith.constant 0 : i32
        %dma_start3A_198 = arith.constant 0 : i32
        %dma_start3A_199 = tpu.memref_slice %arg5[%rem3A_190, %dma_start3A_197, %dma_start3A_198] : memref<3x64x128xf32, #tpu.memory_space<vmem>> -> memref<1x64x128xf32, #tpu.memory_space<vmem>>
        %dma_start3A_200 = tpu.memref_squeeze %dma_start3A_199 : memref<1x64x128xf32, #tpu.memory_space<vmem>> -> memref<64x128xf32, #tpu.memory_space<vmem>>
        %dma_start3A_201 = arith.constant 0 : i32
        %dma_start3A_202 = tpu.memref_slice %arg3[%mul3A_186, %dma_start3A_201] : memref<65536x128xf32, #tpu.memory_space<hbm>> -> memref<64x128xf32, #tpu.memory_space<hbm>>
        tpu.enqueue_dma source(%dma_start3A_202 : memref<64x128xf32, #tpu.memory_space<hbm>>) target(%dma_start3A_200 : memref<64x128xf32, #tpu.memory_space<vmem>>) target_semaphore(%arg7 : memref<!tpu.dma_semaphore, #tpu.memory_space<semaphore_mem>>)
        %dma_start3A_203 = arith.constant 0 : i32
        %dma_start3A_204 = arith.constant 0 : i32
        %dma_start3A_205 = arith.constant 0 : i32
        %dma_start3A_206 = tpu.memref_slice %arg6[%rem3A_188, %dma_start3A_203, %dma_start3A_204, %dma_start3A_205] : memref<3x4x64x128xf32, #tpu.memory_space<vmem>> -> memref<1x4x64x128xf32, #tpu.memory_space<vmem>>
        %dma_start3A_207 = tpu.memref_squeeze %dma_start3A_206 : memref<1x4x64x128xf32, #tpu.memory_space<vmem>> -> memref<4x64x128xf32, #tpu.memory_space<vmem>>
        %dma_start3A_208 = arith.constant 0 : i32
        %dma_start3A_209 = arith.constant 0 : i32
        %dma_start3A_210 = tpu.memref_slice %arg2[%dma_start3A_208, %mul3A_186, %dma_start3A_209] : memref<4x65536x128xf32, #tpu.memory_space<hbm>> -> memref<4x64x128xf32, #tpu.memory_space<hbm>>
        %dma_start3A_211 = arith.constant 0 : i32
        %dma_start3A_212 = arith.constant 0 : i32
        %dma_start3A_213 = arith.constant 0 : i32
        %dma_start3A_214 = tpu.memref_slice %arg6[%rem3A_188, %dma_start3A_211, %dma_start3A_212, %dma_start3A_213] : memref<3x4x64x128xf32, #tpu.memory_space<vmem>> -> memref<1x4x64x128xf32, #tpu.memory_space<vmem>>
        %dma_start3A_215 = tpu.memref_squeeze %dma_start3A_214 : memref<1x4x64x128xf32, #tpu.memory_space<vmem>> -> memref<4x64x128xf32, #tpu.memory_space<vmem>>
        %dma_start3A_216 = arith.constant 0 : i32
        %dma_start3A_217 = arith.constant 0 : i32
        %dma_start3A_218 = tpu.memref_slice %arg2[%dma_start3A_216, %mul3A_186, %dma_start3A_217] : memref<4x65536x128xf32, #tpu.memory_space<hbm>> -> memref<4x64x128xf32, #tpu.memory_space<hbm>>
        tpu.enqueue_dma source(%dma_start3A_218 : memref<4x64x128xf32, #tpu.memory_space<hbm>>) target(%dma_start3A_215 : memref<4x64x128xf32, #tpu.memory_space<vmem>>) target_semaphore(%arg8 : memref<!tpu.dma_semaphore, #tpu.memory_space<semaphore_mem>>)
      } else {
      }
    }
    %scan3A_81 = arith.constant 32 : i32
    %dma_wait3A = arith.constant 0 : i32
    %dma_wait3A_82 = arith.constant 0 : i32
    %dma_wait3A_83 = arith.constant 0 : i32
    %dma_wait3A_84 = arith.constant 0 : i32
    %dma_wait3A_85 = tpu.memref_slice %arg6[%dma_wait3A, %dma_wait3A_82, %dma_wait3A_83, %dma_wait3A_84] : memref<3x4x64x128xf32, #tpu.memory_space<vmem>> -> memref<1x4x64x128xf32, #tpu.memory_space<vmem>>
    %dma_wait3A_86 = tpu.memref_squeeze %dma_wait3A_85 : memref<1x4x64x128xf32, #tpu.memory_space<vmem>> -> memref<4x64x128xf32, #tpu.memory_space<vmem>>
    %dma_wait3A_87 = arith.constant 0 : i32
    %dma_wait3A_88 = arith.constant 0 : i32
    %dma_wait3A_89 = arith.constant 0 : i32
    %dma_wait3A_90 = tpu.memref_slice %arg4[%dma_wait3A_87, %dma_wait3A_88, %dma_wait3A_89] : memref<4x65536x128xf32, #tpu.memory_space<hbm>> -> memref<4x64x128xf32, #tpu.memory_space<hbm>>
    %dma_wait3A_91 = arith.constant 0 : i32
    %dma_wait3A_92 = arith.constant 0 : i32
    %dma_wait3A_93 = arith.constant 0 : i32
    %dma_wait3A_94 = tpu.memref_slice %arg4[%dma_wait3A_91, %dma_wait3A_92, %dma_wait3A_93] : memref<4x65536x128xf32, #tpu.memory_space<hbm>> -> memref<4x64x128xf32, #tpu.memory_space<hbm>>
    %dma_wait3A_95 = arith.constant 0 : i32
    %dma_wait3A_96 = arith.constant 0 : i32
    %dma_wait3A_97 = arith.constant 0 : i32
    %dma_wait3A_98 = tpu.memref_slice %arg6[%dma_wait3A, %dma_wait3A_95, %dma_wait3A_96, %dma_wait3A_97] : memref<3x4x64x128xf32, #tpu.memory_space<vmem>> -> memref<1x4x64x128xf32, #tpu.memory_space<vmem>>
    %dma_wait3A_99 = tpu.memref_squeeze %dma_wait3A_98 : memref<1x4x64x128xf32, #tpu.memory_space<vmem>> -> memref<4x64x128xf32, #tpu.memory_space<vmem>>
    tpu.wait_dma2 semaphore(%arg9 : memref<!tpu.dma_semaphore, #tpu.memory_space<semaphore_mem>>) src(%dma_wait3A_99 : memref<4x64x128xf32, #tpu.memory_space<vmem>>) dst(%dma_wait3A_94 : memref<4x64x128xf32, #tpu.memory_space<hbm>>)
    return
  }
}

</mosaic_0001>

<sc_bundles>
// kernel: kernel.3.cloned.1.call-start
scs
__scs_entry_jumppad:
0x0: {  	(pc) =	sbr.rel $0x88, $3  }
0x1: {  	(tag) =	ssettag $0x0;
	lr =	simm.s32 $0x1  }
0x2: {  	[smem:$0x3F9F] =	sst lr;
	_ =	strace $0xD0000000  }
0x3: {  	_ = 	snop  }
0x4: {  	_ = 	snop  }
0x5: {  	_ = 	snop  }
0x6: {  	_ = 	snop  }
0x7: {  	_ = 	snop  }
__scs_overlays_trampoline_lowered:
0x8: {  	[smem:$0x3FAE] =	sst s0  }
0x9: {  	[smem:$0x3FAF] =	sst s1  }
0xa: {  	[smem:$0x3FB0] =	sst s2  }
0xb: {  	[smem:$0x3FB1] =	sst s3  }
0xc: {  	[smem:$0x3FB2] =	sst s4  }
0xd: {  	[smem:$0x3FB3] =	sst s5  }
0xe: {  	[smem:$0x3FB4] =	sst s6  }
0xf: {  	[smem:$0x3FB5] =	sst s7  }
0x10: {  	[smem:$0x3FB6] =	sst s8  }
0x11: {  	[smem:$0x3FB7] =	sst s9;
	s0 =	simm.s32 @!p0 $0x0  }
0x12: {  	s1 =	sld [smem:$0x3F9D];
	s0 =	simm.s32 @p0 $0x1  }
0x13: {  	[smem:$0x3FB8] =	sst s0;
	s0 =	simm.s32 @!p1 $0x0  }
0x14: {  	s2 =	sld [smem:$0x3F9C];
	s0 =	simm.s32 @p1 $0x1  }
0x15: {  	[smem:$0x3FB9] =	sst s0;
	s0 =	simm.s32 @!p2 $0x0  }
0x16: {  	s3 =	sld [smem:$0x3FDB];
	s0 =	simm.s32 @p2 $0x1  }
0x17: {  	s4 =	simm.s32 $0x1BF5;
	[smem:$0x3FBB] =	sst s0  }
0x18: {  	s0 =	sld [smem:$0x3F9E];
	_ =	swait.ge [sflag:s4], $0x0  }
0x19: {  	s7 =	sld [smem:$0x3F9F]  }
0x1a: {  	s8 =	sadd.s32 $0xFFFFE003, lr  }
0x1b: {  	s9 =	sadd.s32 $0xFFFFFEF7, lr;
	s5 =	simm.s32 $0xFFFFFFFF;
	p2 =	slt.u32 s8, $0xFFFFF086  }
0x1c: {  	p1 =	slt.u32 s9, $0xF7A;
	s5 =	simm.s32 @!p2 $0x0  }
0x1d: {  	s5 =	simm.s32 @p1 $0x1;
	p0 =	seq.s32 s7, s2  }
0x1e: {  	s7 =	smul.u32 @!p0 $0xF7A, s2;
	p2 =	seq.s32 @!p0 s5, $0x0  }
0x1f: {  	s9 =	smul.u32 $0xF7A, s1;
	s8 =	simm.s32 @!p0 $0x1BF5;
	p2 =	por !p2, p0  }
0x20: {  	[sflag:s8] =	ssyncset.s32 @!p0 $0xFFFFF086;
	s6 =	sadd.s32 @!p0 s3, s7;
	s7 =	simm.s32 @!p0 $0x108  }
0x21: {  	s3 =	sadd.s32 s3, s9;
	s6 =	sadd.s32 @!p0 $0x88, s6;
	s7 =	simm.s32 @p2 $0x1082  }
0x22: {  	[simem:s7], [sflag:s8] =	dma.local @!p0 [hbm:s6], $0xF7A  }
0x23: {  	s9 =	sor.u32 $0xD0000000, s2;
	s6 =	simm.s32 $0x108;
	_ =	swait.ge @!p0 [sflag:s8], $0x0  }
0x24: {  	s3 =	sadd.s32 $0x88, s3;
	s6 =	simm.s32 @!p1 $0x1082;
	[sflag:s4] =	ssyncset.s32 $0xFFFFF086  }
0x25: {  	[simem:s6], [sflag:s4] =	dma.local [hbm:s3], $0xF7A  }
0x26: {  	[smem:$0x3F9F] =	sst s1;
	(tag) =	ssettag s2;
	_ =	strace s9  }
0x27: {  	s1 =	sld [smem:$0x3FAF]  }
0x28: {  	s2 =	sld [smem:$0x3FB0]  }
0x29: {  	s4 =	sld [smem:$0x3FB2]  }
0x2a: {  	p0 =	seq.s32 s5, $0x0;
	s5 =	sld [smem:$0x3FB3]  }
0x2b: {  	s6 =	sld [smem:$0x3FB4]  }
0x2c: {  	s7 =	sld [smem:$0x3FB5]  }
0x2d: {  	s3 =	simm.s32 $0x108;
	s8 =	sld [smem:$0x3FB6]  }
0x2e: {  	s3 =	simm.s32 @!p0 $0x1082;
	s9 =	sld [smem:$0x3FB7]  }
0x2f: {  	lr =	sadd.s32 s0, s3;
	s0 =	sld [smem:$0x3FAE]  }
0x30: {  	s3 =	sld [smem:$0x3FB1]  }
0x31: {  	[smem:$0x3FBA] =	sst s10  }
0x32: {  	s10 =	sld [smem:$0x3FB8];
	_ =	sdelay $0x3  }
0x33: {  	p0 =	seq.s32 s10, $0x1;
	s10 =	sld [smem:$0x3FBA];
	_ =	sdelay $0x3  }
0x34: {  	[smem:$0x3FBA] =	sst s10  }
0x35: {  	s10 =	sld [smem:$0x3FB9];
	_ =	sdelay $0x3  }
0x36: {  	p1 =	seq.s32 s10, $0x1;
	s10 =	sld [smem:$0x3FBA];
	_ =	sdelay $0x3  }
0x37: {  	[smem:$0x3FBA] =	sst s10  }
0x38: {  	s10 =	sld [smem:$0x3FBB]  }
0x39: {  	_ = 	snop;
	(pc) =	sbr.ind lr, $3  }
0x3a: {  	_ = 	snop  }
0x3b: {  	_ = 	snop  }
0x3c: {  	p2 =	seq.s32 s10, $0x1;
	s10 =	sld [smem:$0x3FBA]  }
0x3d: {  	_ =	shalt  }
0x3e: {  	_ =	shalt  }
0x3f: {  	_ =	shalt  }
0x40: {  	_ =	shalt  }
0x41: {  	_ =	shalt  }
0x42: {  	_ =	shalt  }
0x43: {  	_ =	shalt  }
0x44: {  	_ =	shalt  }
0x45: {  	_ =	shalt  }
0x46: {  	_ =	shalt  }
0x47: {  	_ =	shalt  }
0x48: {  	_ =	shalt  }
0x49: {  	_ =	shalt  }
0x4a: {  	_ =	shalt  }
0x4b: {  	_ =	shalt  }
0x4c: {  	_ =	shalt  }
0x4d: {  	_ =	shalt  }
0x4e: {  	_ =	shalt  }
0x4f: {  	_ =	shalt  }
0x50: {  	_ =	shalt  }
0x51: {  	_ =	shalt  }
0x52: {  	_ =	shalt  }
0x53: {  	_ =	shalt  }
0x54: {  	_ =	shalt  }
0x55: {  	_ =	shalt  }
0x56: {  	_ =	shalt  }
0x57: {  	_ =	shalt  }
0x58: {  	_ =	shalt  }
0x59: {  	_ =	shalt  }
0x5a: {  	_ =	shalt  }
0x5b: {  	_ =	shalt  }
0x5c: {  	_ =	shalt  }
0x5d: {  	_ =	shalt  }
0x5e: {  	_ =	shalt  }
0x5f: {  	_ =	shalt  }
0x60: {  	_ =	shalt  }
0x61: {  	_ =	shalt  }
0x62: {  	_ =	shalt  }
0x63: {  	_ =	shalt  }
0x64: {  	_ =	shalt  }
0x65: {  	_ =	shalt  }
0x66: {  	_ =	shalt  }
0x67: {  	_ =	shalt  }
0x68: {  	_ =	shalt  }
0x69: {  	_ =	shalt  }
0x6a: {  	_ =	shalt  }
0x6b: {  	_ =	shalt  }
0x6c: {  	_ =	shalt  }
0x6d: {  	_ =	shalt  }
0x6e: {  	_ =	shalt  }
0x6f: {  	_ =	shalt  }
0x70: {  	_ =	shalt  }
0x71: {  	_ =	shalt  }
0x72: {  	_ =	shalt  }
0x73: {  	_ =	shalt  }
0x74: {  	_ =	shalt  }
0x75: {  	_ =	shalt  }
0x76: {  	_ =	shalt  }
0x77: {  	_ =	shalt  }
0x78: {  	_ =	shalt  }
0x79: {  	_ =	shalt  }
0x7a: {  	_ =	shalt  }
0x7b: {  	_ =	shalt  }
0x7c: {  	_ =	shalt  }
0x7d: {  	_ =	shalt  }
0x7e: {  	_ =	shalt  }
0x7f: {  	_ =	shalt  }
0x80: {  	_ =	shalt  }
0x81: {  	_ =	shalt  }
0x82: {  	_ =	shalt  }
0x83: {  	_ =	shalt  }
0x84: {  	_ =	shalt  }
0x85: {  	_ =	shalt  }
0x86: {  	_ =	shalt  }
0x87: {  	_ =	shalt  }
.Lfunc_end0:
.L_simem_size_0:
called_computation_lowered:
.L_overlay_start_0:
0x88: {  	s2 =	sld [smem:$0x3FD9]  }
0x89: {  	s3 =	sld [smem:$0x3FFE];
	_ =	sdelay $0x1  }
0x8a: {  	s1 =	srdreg.scid  }
0x8b: {  	s0 =	sand.u32 $0x1, s1  }
0x8c: {  	s17 =	sshll.u32 s0, $0xA;
	s2 =	sadd.s32 s3, s2  }
0x8d: {  	s2 =	sadd.s32 s2, s17  }
0x8e: {  	[smem:$0x3FC6] =	sst s2  }
0x8f: {  	_ = 	snop  }
0x90: {  	s2 =	sld [smem:$0x3FD0];
	(tm) =	ssettm $0x1  }
0x91: {  	s18 =	sld [smem:$0x3FFB];
	_ =	sdelay $0x3  }
0x92: {  	_ =	strace s18  }
0x93: {  	s3 =	sld [smem:$0x3FFC];
	_ =	sdelay $0x3  }
0x94: {  	_ =	strace s3  }
0x95: {  	s3 =	sld [smem:$0x3FFD];
	_ =	sdelay $0x3  }
0x96: {  	_ =	strace s3  }
0x97: {  	_ =	strace $0x8FFFFFFF  }
0x98: {  	s19 =	sld [smem:$0x3FDB];
	_ =	sdelay $0x1  }
0x99: {  	s4 =	simm.s32 $_scs_section_size  }
0x9a: {  	s5 =	simm.s32 $_size__tile_overlayer_lowered;
	s6 =	simm.s32 $_tile_overlayer_lowered  }
0x9b: {  	s22 =	simm.s32 $0x1BFF;
	s21 =	sshll.u32 s6, $0x1;
	s3 =	sadd.s32 s4, s19  }
0x9c: {  	s7 =	simm.s32 $0x0;
	s20 =	sshll.u32 s5, $0x1;
	s5 =	sadd.s32 s21, s3  }
0x9d: {  	[timem:s7], [sflag:s22] =	dma.local [hbm:s5], s20  }
0x9e: {  	_ =	swait.ge [sflag:s22], s20  }
0x9f: {  	s4 =	ssub.s32 $0x0, s20;
	[sflag:s22] =	ssyncset.done $0x0  }
0xa0: {  	[sflag:s22] =	ssyncadd.s32 s4;
	_ =	sdelay $0x1  }
0xa1: {  	s23 =	simm.s32 $0x1B8B  }
0xa2: {  	_ =	swait.ge [sflag:s23], $0x1  }
0xa3: {  	[sflag:s23] =	ssyncset.done $0x0  }
0xa4: {  	s25 =	simm.s32 $0x1B8E;
	s24 =	sld [smem:$0x3FFE];
	[sflag:s23] =	ssyncadd.s32 $0xFFFFFFFF  }
0xa5: {  	s26 =	simm.s32 $execute0_lowered;
	[smem:$0x3FD2] =	sst s25  }
0xa6: {  	s5 =	sshll.u32 s26, $0x1;
	_ =	strace $0x80000046;
	[dreg:$0x1] =	wrdreg $0xFFFFFFFF  }
0xa7: {  	s28 =	simm.s32 $_size_execute0_lowered;
	s3 =	sadd.s32 s3, s5;
	[dreg:$0x0] =	wrdreg $0x0  }
0xa8: {  	s5 =	sshll.u32 s28, $0x1;
	[dreg:$0x2] =	wrdreg s3  }
0xa9: {  	[dreg:$0x3] =	wrdreg s5  }
0xaa: {  	[dreg:$0x4] =	wrdreg $0xC0  }
0xab: {  	_ =	task [dreg:s7], $0x5FFFF  }
0xac: {  	[dreg:$0x1] =	wrdreg $0xFFFFFFFF  }
0xad: {  	[dreg:$0x0] =	wrdreg $0x60  }
0xae: {  	[dreg:$0x2] =	wrdreg s2  }
0xaf: {  	[dreg:$0x3] =	wrdreg s24  }
0xb0: {  	[dreg:$0x4] =	wrdreg $0x9  }
0xb1: {  	_ =	task.clear_ibuf [dreg:s7], $0x5FFFF;
	_ =	strace $0x90000046  }
0xb2: {  	s29 =	simm.s32 $0x9;
	_ =	strace $0x80000048  }
0xb3: {  	_ =	swait.ge [sflag:s29], $0x1  }
0xb4: {  	[sflag:s29] =	ssyncadd.s32 $0xFFFFFFFF  }
0xb5: {  	_ =	strace $0x90000048  }
0xb6: {  	_ =	sfence  }
0xb7: {  	s30 =	sld [smem:$0x0];
	_ =	sdelay $0x2  }
0xb8: {  	s31 =	sshll.u32 s1, $0xD;
	s1 =	sshrl.u32 s1, $0x2  }
0xb9: {  	s3 =	sand.u32 $0x4000, s31;
	s1 =	sadd.s32 s1, s30  }
0xba: {  	s0 =	sor.u32 s3, s0;
	s1 =	sshll.u32 s1, $0x11  }
0xbb: {  	s0 =	sor.u32 s1, s0  }
0xbc: {  	s0 =	sadd.s32 $0x8F2B, s0  }
0xbd: {  	[sflag:s0] =	ssyncadd.remote.s32 $0x1  }
0xbe: {  	_ =	sfence.sel $0xFFFF  }
0xbf: {  	[dreg:$0x0] =	wrdreg $0xFFFFFFFF;
	(pc) =	sbr.abs _section_cstart, $3  }
0xc0: {  	[dreg:$0x1] =	wrdreg $0xFFFFFFFF  }
0xc1: {  	_ =	task.clear_ibuf [dreg:s7], $0x2FFFF;
	_ =	strace $0x9FFFFFFF  }
0xc2: {  	(tm) =	ssettm $0x7FFFFFFF  }
0xc3: {  	_ =	shalt  }
tec
execute0_lowered:
.L_overlay_start_1:
0x0: {  	(tag) =	ssettag $0x1  }
0x1: {  	s1 =	rddreg [dreg:$0x0]  }
0x2: {  	s6 =	rddreg [dreg:$0x1];
	s3 =	simm.s32 $0x0;
	s4 =	srdreg.scid  }
0x3: {  	s2 =	stileid.u32;
	s12 =	simm.s32 $0x2000;
	s13 =	simm.s32 $0x800000  }
0x4: {  	s14 =	simm.s32 $0x6000;
	s15 =	simm.s32 $0xE000;
	s16 =	simm.s32 $0x1  }
0x5: {  	s17 =	simm.s32 $0x2;
	s18 =	simm.s32 $0x3;
	s19 =	simm.s32 $0x0  }
0x6: {  	[smem:$0x7FF] =	sst s3;
	s4 =	sand.u32 $0x1, s4;
	s5 =	sshll.u32 s2, $0x10  }
0x7: {  	s7 =	sshll.u32 s4, $0xF;
	s8 =	ssub.s32 $0x2, s4;
	_ =	strace $0x80000047  }
0x8: {  	s4 =	sor.u32 s7, s5;
	s31 =	sshrl.u32 s8, $0x1;
	s5 =	sadd.s32 $0x400, s6  }
0x9: {  	s10 =	sadd.s32 s4, s6;
	s11 =	ssub.s32 s8, s31;
	s9 =	sor.u32 $0x400, s4  }
0xa: {  	s6 =	sadd.s32 s5, s4;
	s7 =	sadd.s32 s1, s4;
	s8 =	sadd.s32 s5, s9  }
0xb: {  	s9 =	sadd.s32 s1, s9;
	s10 =	sadd.s32 $0x100400, s10;
	s11 =	smax.u32 s11, $0x1  }
.LBB2_1:
0xc: {  	[tilespmem:s3], [sflag:$0x1] =	stream.linear.gather [hbm4b:s6+s3], $0x2000, $0x38;
	[tilespmem:$0x1E000] =	vst v63  }
0xd: {  	_ = 	snop  }
0xe: {  	[tilespmem:s14], [sflag:$0x2] =	stream.strided.gather [hbm4b:s7+s12], $0x8000, s13, s12, $0x38;
	[tilespmem:$0x1E000] =	vst v63  }
0xf: {  	_ = 	snop  }
0x10: {  	[tilespmem:s12], [sflag:$0x1] =	stream.linear.gather [hbm4b:s8+s3], $0x2000, $0x38;
	[tilespmem:$0x1E000] =	vst v63  }
0x11: {  	s20 =	simm.s32 $0x0  }
0x12: {  	[tilespmem:s15], [sflag:$0x2] =	stream.strided.gather [hbm4b:s9+s12], $0x8000, s13, s12, $0x38;
	[tilespmem:$0x1E000] =	vst v63  }
.LBB2_2:
0x13: {  	s21 =	smul.u32 $0xAB, s20;
	_ =	sdelay $0x1  }
0x14: {  	s21 =	sshrl.u32 s21, $0x9  }
0x15: {  	s21 =	sand.u32 $0x7F, s21  }
0x16: {  	s21 =	smul.u32 $0x3, s21;
	_ =	sdelay $0x1  }
0x17: {  	s21 =	ssub.s32 s20, s21  }
0x18: {  	s21 =	sand.u32 $0xFF, s21  }
0x19: {  	s23 =	sshll.u32 s21, $0xF  }
0x1a: {  	_ =	swait.ge [sflag:s16], $0x2000;
	s21 =	sor.u32 $0x6000, s23  }
0x1b: {  	[sflag:s16] =	ssyncset.done $0x0;
	s22 =	sshrl.u32 s23, $0x2;
	v1 =	vmov s21  }
0x1c: {  	[sflag:s16] =	ssyncadd.s32 $0xFFFFE000;
	v4 =	vmov s22  }
0x1d: {  	_ =	swait.ge [sflag:s17], $0x8000  }
0x1e: {  	[sflag:s17] =	ssyncset.done $0x0  }
0x1f: {  	s30 =	simm.s32 $0x0;
	[sflag:s17] =	ssyncadd.s32 $0xFFFF8000  }
0x20: {  	v2 =	vld.idx.msk [tilespmem:v1+s30+$0x0 ss:$0x1], $0xffff  }
0x21: {  	v5 =	vld.idx.msk [tilespmem:v4+s30+$0x0 ss:$0x1], $0xffff;
	_ =	sdelay $0x1  }
0x22: {  	s31 =	sadd.s32 $0x8000, s23  }
0x23: {  	s28 =	sor.u32 $0x100, s30;
	v0 =	vmov s31  }
0x24: {  	v3 =	vld.idx.msk [tilespmem:v1+s28+$0x0 ss:$0x1], $0xffff  }
0x25: {  	s22 =	sor.u32 $0x80, s30;
	v6 =	vld.idx.msk [tilespmem:v4+s28+$0x0 ss:$0x1], $0xffff;
	v2 =	vadd.f32 v2, v5  }
0x26: {  	v7 =	vld.idx.msk [tilespmem:v1+s22+$0x0 ss:$0x1], $0xffff  }
0x27: {  	v8 =	vld.idx.msk [tilespmem:v4+s22+$0x0 ss:$0x1], $0xffff;
	[tilespmem:v1+s30+$0x0 ss:$0x1] =	vst.idx.msk $0xffff, v2  }
0x28: {  	s29 =	sor.u32 $0x180, s30;
	v9 =	vld.idx.msk [tilespmem:v0+s30+$0x0 ss:$0x1], $0xffff  }
0x29: {  	v10 =	vld.idx.msk [tilespmem:v1+s29+$0x0 ss:$0x1], $0xffff  }
0x2a: {  	s24 =	sadd.s32 $0xA000, s23;
	v11 =	vld.idx.msk [tilespmem:v4+s29+$0x0 ss:$0x1], $0xffff;
	v3 =	vadd.f32 v3, v6  }
0x2b: {  	v2 =	vmov s24  }
0x2c: {  	v7 =	vadd.f32 v7, v8;
	[tilespmem:v1+s28+$0x0 ss:$0x1] =	vst.idx.msk $0xffff, v3  }
0x2d: {  	v3 =	vld.idx.msk [tilespmem:v0+s28+$0x0 ss:$0x1], $0xffff;
	v9 =	vadd.f32 v9, v5  }
0x2e: {  	[tilespmem:v1+s22+$0x0 ss:$0x1] =	vst.idx.msk $0xffff, v7  }
0x2f: {  	v10 =	vadd.f32 v10, v11;
	v7 =	vld.idx.msk [tilespmem:v0+s22+$0x0 ss:$0x1], $0xffff;
	[tilespmem:v0+s30+$0x0 ss:$0x1] =	vst.idx.msk $0xffff, v9  }
0x30: {  	v9 =	vld.idx.msk [tilespmem:v2+s30+$0x0 ss:$0x1], $0xffff  }
0x31: {  	[tilespmem:v1+s29+$0x0 ss:$0x1] =	vst.idx.msk $0xffff, v10  }
0x32: {  	s23 =	sadd.s32 $0xC000, s23;
	v10 =	vld.idx.msk [tilespmem:v0+s29+$0x0 ss:$0x1], $0xffff;
	v12 =	vadd.f32 v3, v6  }
0x33: {  	v3 =	vmov s23  }
0x34: {  	v7 =	vadd.f32 v7, v8;
	[tilespmem:v0+s28+$0x0 ss:$0x1] =	vst.idx.msk $0xffff, v12  }
0x35: {  	v12 =	vld.idx.msk [tilespmem:v2+s28+$0x0 ss:$0x1], $0xffff;
	v9 =	vadd.f32 v9, v5  }
0x36: {  	[tilespmem:v0+s22+$0x0 ss:$0x1] =	vst.idx.msk $0xffff, v7  }
0x37: {  	v10 =	vadd.f32 v10, v11;
	v7 =	vld.idx.msk [tilespmem:v2+s22+$0x0 ss:$0x1], $0xffff;
	[tilespmem:v2+s30+$0x0 ss:$0x1] =	vst.idx.msk $0xffff, v9  }
0x38: {  	v9 =	vld.idx.msk [tilespmem:v3+s30+$0x0 ss:$0x1], $0xffff  }
0x39: {  	[tilespmem:v0+s29+$0x0 ss:$0x1] =	vst.idx.msk $0xffff, v10  }
0x3a: {  	v10 =	vld.idx.msk [tilespmem:v2+s29+$0x0 ss:$0x1], $0xffff;
	v12 =	vadd.f32 v12, v6;
	_ =	sdelay $0x1  }
0x3b: {  	v7 =	vadd.f32 v7, v8;
	[tilespmem:v2+s28+$0x0 ss:$0x1] =	vst.idx.msk $0xffff, v12  }
0x3c: {  	v12 =	vld.idx.msk [tilespmem:v3+s28+$0x0 ss:$0x1], $0xffff;
	v5 =	vadd.f32 v9, v5  }
0x3d: {  	[tilespmem:v2+s22+$0x0 ss:$0x1] =	vst.idx.msk $0xffff, v7  }
0x3e: {  	v7 =	vadd.f32 v10, v11;
	v9 =	vld.idx.msk [tilespmem:v3+s22+$0x0 ss:$0x1], $0xffff;
	[tilespmem:v3+s30+$0x0 ss:$0x1] =	vst.idx.msk $0xffff, v5  }
0x3f: {  	v5 =	vld.idx.msk [tilespmem:v4+s30+$0x10 ss:$0x1], $0xffff  }
0x40: {  	[tilespmem:v2+s29+$0x0 ss:$0x1] =	vst.idx.msk $0xffff, v7;
	v7 =	vld.idx.msk [tilespmem:v1+s30+$0x10 ss:$0x1], $0xffff  }
0x41: {  	v10 =	vld.idx.msk [tilespmem:v3+s29+$0x0 ss:$0x1], $0xffff;
	v6 =	vadd.f32 v12, v6;
	_ =	sdelay $0x1  }
0x42: {  	[tilespmem:v3+s28+$0x0 ss:$0x1] =	vst.idx.msk $0xffff, v6;
	v8 =	vadd.f32 v9, v8  }
0x43: {  	v6 =	vld.idx.msk [tilespmem:v4+s28+$0x10 ss:$0x1], $0xffff  }
0x44: {  	[tilespmem:v3+s22+$0x0 ss:$0x1] =	vst.idx.msk $0xffff, v8;
	v8 =	vld.idx.msk [tilespmem:v1+s28+$0x10 ss:$0x1], $0xffff;
	v7 =	vadd.f32 v7, v5  }
0x45: {  	v9 =	vadd.f32 v10, v11;
	v10 =	vld.idx.msk [tilespmem:v4+s22+$0x10 ss:$0x1], $0xffff  }
0x46: {  	v11 =	vld.idx.msk [tilespmem:v1+s22+$0x10 ss:$0x1], $0xffff;
	[tilespmem:v1+s30+$0x10 ss:$0x1] =	vst.idx.msk $0xffff, v7  }
0x47: {  	[tilespmem:v3+s29+$0x0 ss:$0x1] =	vst.idx.msk $0xffff, v9;
	v7 =	vld.idx.msk [tilespmem:v0+s30+$0x10 ss:$0x1], $0xffff  }
0x48: {  	v9 =	vld.idx.msk [tilespmem:v1+s29+$0x10 ss:$0x1], $0xffff  }
0x49: {  	v12 =	vld.idx.msk [tilespmem:v4+s29+$0x10 ss:$0x1], $0xffff;
	v8 =	vadd.f32 v8, v6;
	_ =	sdelay $0x1  }
0x4a: {  	v11 =	vadd.f32 v11, v10;
	[tilespmem:v1+s28+$0x10 ss:$0x1] =	vst.idx.msk $0xffff, v8  }
0x4b: {  	v8 =	vld.idx.msk [tilespmem:v0+s28+$0x10 ss:$0x1], $0xffff;
	v7 =	vadd.f32 v7, v5  }
0x4c: {  	[tilespmem:v1+s22+$0x10 ss:$0x1] =	vst.idx.msk $0xffff, v11  }
0x4d: {  	v9 =	vadd.f32 v9, v12;
	v11 =	vld.idx.msk [tilespmem:v0+s22+$0x10 ss:$0x1], $0xffff;
	[tilespmem:v0+s30+$0x10 ss:$0x1] =	vst.idx.msk $0xffff, v7  }
0x4e: {  	v7 =	vld.idx.msk [tilespmem:v2+s30+$0x10 ss:$0x1], $0xffff  }
0x4f: {  	[tilespmem:v1+s29+$0x10 ss:$0x1] =	vst.idx.msk $0xffff, v9  }
0x50: {  	v9 =	vld.idx.msk [tilespmem:v0+s29+$0x10 ss:$0x1], $0xffff;
	v8 =	vadd.f32 v8, v6;
	_ =	sdelay $0x1  }
0x51: {  	v11 =	vadd.f32 v11, v10;
	[tilespmem:v0+s28+$0x10 ss:$0x1] =	vst.idx.msk $0xffff, v8  }
0x52: {  	v8 =	vld.idx.msk [tilespmem:v2+s28+$0x10 ss:$0x1], $0xffff;
	v7 =	vadd.f32 v7, v5  }
0x53: {  	[tilespmem:v0+s22+$0x10 ss:$0x1] =	vst.idx.msk $0xffff, v11  }
0x54: {  	v9 =	vadd.f32 v9, v12;
	v11 =	vld.idx.msk [tilespmem:v2+s22+$0x10 ss:$0x1], $0xffff;
	[tilespmem:v2+s30+$0x10 ss:$0x1] =	vst.idx.msk $0xffff, v7  }
0x55: {  	v7 =	vld.idx.msk [tilespmem:v3+s30+$0x10 ss:$0x1], $0xffff  }
0x56: {  	[tilespmem:v0+s29+$0x10 ss:$0x1] =	vst.idx.msk $0xffff, v9  }
0x57: {  	v9 =	vld.idx.msk [tilespmem:v2+s29+$0x10 ss:$0x1], $0xffff;
	v8 =	vadd.f32 v8, v6;
	_ =	sdelay $0x1  }
0x58: {  	v11 =	vadd.f32 v11, v10;
	[tilespmem:v2+s28+$0x10 ss:$0x1] =	vst.idx.msk $0xffff, v8  }
0x59: {  	v8 =	vld.idx.msk [tilespmem:v3+s28+$0x10 ss:$0x1], $0xffff;
	v5 =	vadd.f32 v7, v5  }
0x5a: {  	[tilespmem:v2+s22+$0x10 ss:$0x1] =	vst.idx.msk $0xffff, v11  }
0x5b: {  	v9 =	vadd.f32 v9, v12;
	v7 =	vld.idx.msk [tilespmem:v3+s22+$0x10 ss:$0x1], $0xffff;
	[tilespmem:v3+s30+$0x10 ss:$0x1] =	vst.idx.msk $0xffff, v5  }
0x5c: {  	v5 =	vld.idx.msk [tilespmem:v4+s30+$0x20 ss:$0x1], $0xffff  }
0x5d: {  	[tilespmem:v2+s29+$0x10 ss:$0x1] =	vst.idx.msk $0xffff, v9;
	v9 =	vld.idx.msk [tilespmem:v1+s30+$0x20 ss:$0x1], $0xffff  }
0x5e: {  	v6 =	vadd.f32 v8, v6;
	v8 =	vld.idx.msk [tilespmem:v3+s29+$0x10 ss:$0x1], $0xffff;
	_ =	sdelay $0x1  }
0x5f: {  	v7 =	vadd.f32 v7, v10;
	[tilespmem:v3+s28+$0x10 ss:$0x1] =	vst.idx.msk $0xffff, v6  }
0x60: {  	v6 =	vld.idx.msk [tilespmem:v4+s28+$0x20 ss:$0x1], $0xffff  }
0x61: {  	[tilespmem:v3+s22+$0x10 ss:$0x1] =	vst.idx.msk $0xffff, v7;
	v7 =	vld.idx.msk [tilespmem:v1+s28+$0x20 ss:$0x1], $0xffff;
	v9 =	vadd.f32 v9, v5  }
0x62: {  	v10 =	vld.idx.msk [tilespmem:v4+s22+$0x20 ss:$0x1], $0xffff;
	v8 =	vadd.f32 v8, v12  }
0x63: {  	v11 =	vld.idx.msk [tilespmem:v1+s22+$0x20 ss:$0x1], $0xffff;
	[tilespmem:v1+s30+$0x20 ss:$0x1] =	vst.idx.msk $0xffff, v9  }
0x64: {  	v9 =	vld.idx.msk [tilespmem:v0+s30+$0x20 ss:$0x1], $0xffff;
	[tilespmem:v3+s29+$0x10 ss:$0x1] =	vst.idx.msk $0xffff, v8  }
0x65: {  	v8 =	vld.idx.msk [tilespmem:v4+s29+$0x20 ss:$0x1], $0xffff  }
0x66: {  	v7 =	vadd.f32 v7, v6;
	v12 =	vld.idx.msk [tilespmem:v1+s29+$0x20 ss:$0x1], $0xffff;
	_ =	sdelay $0x1  }
0x67: {  	v11 =	vadd.f32 v11, v10;
	[tilespmem:v1+s28+$0x20 ss:$0x1] =	vst.idx.msk $0xffff, v7  }
0x68: {  	v7 =	vld.idx.msk [tilespmem:v0+s28+$0x20 ss:$0x1], $0xffff;
	v9 =	vadd.f32 v9, v5  }
0x69: {  	[tilespmem:v1+s22+$0x20 ss:$0x1] =	vst.idx.msk $0xffff, v11  }
0x6a: {  	v11 =	vld.idx.msk [tilespmem:v0+s22+$0x20 ss:$0x1], $0xffff;
	[tilespmem:v0+s30+$0x20 ss:$0x1] =	vst.idx.msk $0xffff, v9;
	v9 =	vadd.f32 v12, v8  }
0x6b: {  	v12 =	vld.idx.msk [tilespmem:v2+s30+$0x20 ss:$0x1], $0xffff  }
0x6c: {  	[tilespmem:v1+s29+$0x20 ss:$0x1] =	vst.idx.msk $0xffff, v9  }
0x6d: {  	v7 =	vadd.f32 v7, v6;
	v9 =	vld.idx.msk [tilespmem:v0+s29+$0x20 ss:$0x1], $0xffff;
	_ =	sdelay $0x1  }
0x6e: {  	v11 =	vadd.f32 v11, v10;
	[tilespmem:v0+s28+$0x20 ss:$0x1] =	vst.idx.msk $0xffff, v7  }
0x6f: {  	v7 =	vld.idx.msk [tilespmem:v2+s28+$0x20 ss:$0x1], $0xffff;
	v12 =	vadd.f32 v12, v5  }
0x70: {  	[tilespmem:v0+s22+$0x20 ss:$0x1] =	vst.idx.msk $0xffff, v11  }
0x71: {  	v11 =	vld.idx.msk [tilespmem:v2+s22+$0x20 ss:$0x1], $0xffff;
	[tilespmem:v2+s30+$0x20 ss:$0x1] =	vst.idx.msk $0xffff, v12;
	v9 =	vadd.f32 v9, v8  }
0x72: {  	v12 =	vld.idx.msk [tilespmem:v3+s30+$0x20 ss:$0x1], $0xffff  }
0x73: {  	[tilespmem:v0+s29+$0x20 ss:$0x1] =	vst.idx.msk $0xffff, v9  }
0x74: {  	v7 =	vadd.f32 v7, v6;
	v9 =	vld.idx.msk [tilespmem:v2+s29+$0x20 ss:$0x1], $0xffff;
	_ =	sdelay $0x1  }
0x75: {  	v11 =	vadd.f32 v11, v10;
	[tilespmem:v2+s28+$0x20 ss:$0x1] =	vst.idx.msk $0xffff, v7  }
0x76: {  	v7 =	vld.idx.msk [tilespmem:v3+s28+$0x20 ss:$0x1], $0xffff;
	v5 =	vadd.f32 v12, v5  }
0x77: {  	[tilespmem:v2+s22+$0x20 ss:$0x1] =	vst.idx.msk $0xffff, v11  }
0x78: {  	v11 =	vld.idx.msk [tilespmem:v3+s22+$0x20 ss:$0x1], $0xffff;
	[tilespmem:v3+s30+$0x20 ss:$0x1] =	vst.idx.msk $0xffff, v5;
	v5 =	vadd.f32 v9, v8  }
0x79: {  	v9 =	vld.idx.msk [tilespmem:v4+s30+$0x30 ss:$0x1], $0xffff  }
0x7a: {  	v12 =	vld.idx.msk [tilespmem:v1+s30+$0x30 ss:$0x1], $0xffff;
	[tilespmem:v2+s29+$0x20 ss:$0x1] =	vst.idx.msk $0xffff, v5  }
0x7b: {  	v5 =	vadd.f32 v7, v6;
	v6 =	vld.idx.msk [tilespmem:v3+s29+$0x20 ss:$0x1], $0xffff;
	_ =	sdelay $0x1  }
0x7c: {  	v7 =	vadd.f32 v11, v10;
	[tilespmem:v3+s28+$0x20 ss:$0x1] =	vst.idx.msk $0xffff, v5  }
0x7d: {  	v5 =	vld.idx.msk [tilespmem:v4+s28+$0x30 ss:$0x1], $0xffff  }
0x7e: {  	[tilespmem:v3+s22+$0x20 ss:$0x1] =	vst.idx.msk $0xffff, v7;
	v7 =	vld.idx.msk [tilespmem:v1+s28+$0x30 ss:$0x1], $0xffff;
	v10 =	vadd.f32 v12, v9  }
0x7f: {  	v11 =	vld.idx.msk [tilespmem:v4+s22+$0x30 ss:$0x1], $0xffff;
	v6 =	vadd.f32 v6, v8  }
0x80: {  	[tilespmem:v1+s30+$0x30 ss:$0x1] =	vst.idx.msk $0xffff, v10;
	v8 =	vld.idx.msk [tilespmem:v1+s22+$0x30 ss:$0x1], $0xffff  }
0x81: {  	v10 =	vld.idx.msk [tilespmem:v0+s30+$0x30 ss:$0x1], $0xffff;
	[tilespmem:v3+s29+$0x20 ss:$0x1] =	vst.idx.msk $0xffff, v6  }
0x82: {  	v6 =	vld.idx.msk [tilespmem:v4+s29+$0x30 ss:$0x1], $0xffff  }
0x83: {  	v7 =	vadd.f32 v7, v5;
	v12 =	vld.idx.msk [tilespmem:v1+s29+$0x30 ss:$0x1], $0xffff;
	_ =	sdelay $0x1  }
0x84: {  	[tilespmem:v1+s28+$0x30 ss:$0x1] =	vst.idx.msk $0xffff, v7;
	v8 =	vadd.f32 v8, v11  }
0x85: {  	v7 =	vadd.f32 v10, v9;
	v10 =	vld.idx.msk [tilespmem:v0+s28+$0x30 ss:$0x1], $0xffff  }
0x86: {  	[tilespmem:v1+s22+$0x30 ss:$0x1] =	vst.idx.msk $0xffff, v8  }
0x87: {  	[tilespmem:v0+s30+$0x30 ss:$0x1] =	vst.idx.msk $0xffff, v7;
	v7 =	vld.idx.msk [tilespmem:v0+s22+$0x30 ss:$0x1], $0xffff;
	v8 =	vadd.f32 v12, v6  }
0x88: {  	v12 =	vld.idx.msk [tilespmem:v2+s30+$0x30 ss:$0x1], $0xffff  }
0x89: {  	[tilespmem:v1+s29+$0x30 ss:$0x1] =	vst.idx.msk $0xffff, v8  }
0x8a: {  	v8 =	vadd.f32 v10, v5;
	v10 =	vld.idx.msk [tilespmem:v0+s29+$0x30 ss:$0x1], $0xffff;
	_ =	sdelay $0x1  }
0x8b: {  	v7 =	vadd.f32 v7, v11;
	[tilespmem:v0+s28+$0x30 ss:$0x1] =	vst.idx.msk $0xffff, v8  }
0x8c: {  	v8 =	vadd.f32 v12, v9;
	v12 =	vld.idx.msk [tilespmem:v2+s28+$0x30 ss:$0x1], $0xffff  }
0x8d: {  	[tilespmem:v0+s22+$0x30 ss:$0x1] =	vst.idx.msk $0xffff, v7  }
0x8e: {  	[tilespmem:v2+s30+$0x30 ss:$0x1] =	vst.idx.msk $0xffff, v8;
	v7 =	vld.idx.msk [tilespmem:v2+s22+$0x30 ss:$0x1], $0xffff;
	v8 =	vadd.f32 v10, v6  }
0x8f: {  	v10 =	vld.idx.msk [tilespmem:v3+s30+$0x30 ss:$0x1], $0xffff  }
0x90: {  	[tilespmem:v0+s29+$0x30 ss:$0x1] =	vst.idx.msk $0xffff, v8  }
0x91: {  	v8 =	vadd.f32 v12, v5;
	v12 =	vld.idx.msk [tilespmem:v2+s29+$0x30 ss:$0x1], $0xffff  }
0x92: {  	s24 =	simm.s32 $0x200  }
0x93: {  	v19 =	vld.idx.msk [tilespmem:v1+s24+$0x0 ss:$0x1], $0xffff;
	v7 =	vadd.f32 v7, v11;
	[tilespmem:v2+s28+$0x30 ss:$0x1] =	vst.idx.msk $0xffff, v8  }
0x94: {  	s25 =	sor.u32 $0x100, s24;
	v8 =	vadd.f32 v10, v9;
	v9 =	vld.idx.msk [tilespmem:v3+s28+$0x30 ss:$0x1], $0xffff  }
0x95: {  	v15 =	vld.idx.msk [tilespmem:v1+s25+$0x0 ss:$0x1], $0xffff;
	[tilespmem:v2+s22+$0x30 ss:$0x1] =	vst.idx.msk $0xffff, v7  }
0x96: {  	[tilespmem:v3+s30+$0x30 ss:$0x1] =	vst.idx.msk $0xffff, v8;
	v7 =	vld.idx.msk [tilespmem:v3+s22+$0x30 ss:$0x1], $0xffff;
	v8 =	vadd.f32 v12, v6  }
0x97: {  	v10 =	vld.idx.msk [tilespmem:v4+s30+$0x40 ss:$0x1], $0xffff  }
0x98: {  	v12 =	vld.idx.msk [tilespmem:v1+s30+$0x40 ss:$0x1], $0xffff;
	[tilespmem:v2+s29+$0x30 ss:$0x1] =	vst.idx.msk $0xffff, v8  }
0x99: {  	s23 =	sor.u32 $0x80, s24;
	v5 =	vadd.f32 v9, v5;
	v8 =	vld.idx.msk [tilespmem:v3+s29+$0x30 ss:$0x1], $0xffff  }
0x9a: {  	v13 =	vld.idx.msk [tilespmem:v1+s23+$0x0 ss:$0x1], $0xffff  }
0x9b: {  	v14 =	vld.idx.msk [tilespmem:v4+s23+$0x0 ss:$0x1], $0xffff;
	v7 =	vadd.f32 v7, v11;
	[tilespmem:v3+s28+$0x30 ss:$0x1] =	vst.idx.msk $0xffff, v5  }
0x9c: {  	v5 =	vld.idx.msk [tilespmem:v4+s28+$0x40 ss:$0x1], $0xffff  }
0x9d: {  	v9 =	vadd.f32 v12, v10;
	[tilespmem:v3+s22+$0x30 ss:$0x1] =	vst.idx.msk $0xffff, v7;
	v7 =	vld.idx.msk [tilespmem:v1+s28+$0x40 ss:$0x1], $0xffff  }
0x9e: {  	v11 =	vld.idx.msk [tilespmem:v4+s22+$0x40 ss:$0x1], $0xffff;
	v6 =	vadd.f32 v8, v6  }
0x9f: {  	[tilespmem:v1+s30+$0x40 ss:$0x1] =	vst.idx.msk $0xffff, v9;
	v8 =	vld.idx.msk [tilespmem:v1+s22+$0x40 ss:$0x1], $0xffff  }
0xa0: {  	v9 =	vld.idx.msk [tilespmem:v0+s30+$0x40 ss:$0x1], $0xffff;
	[tilespmem:v3+s29+$0x30 ss:$0x1] =	vst.idx.msk $0xffff, v6  }
0xa1: {  	v6 =	vld.idx.msk [tilespmem:v4+s29+$0x40 ss:$0x1], $0xffff  }
0xa2: {  	v13 =	vadd.f32 v13, v14;
	v12 =	vld.idx.msk [tilespmem:v1+s29+$0x40 ss:$0x1], $0xffff  }
0xa3: {  	s26 =	sor.u32 $0x180, s24;
	v16 =	vld.idx.msk [tilespmem:v4+s25+$0x0 ss:$0x1], $0xffff;
	v7 =	vadd.f32 v7, v5  }
0xa4: {  	v17 =	vld.idx.msk [tilespmem:v1+s26+$0x0 ss:$0x1], $0xffff;
	[tilespmem:v1+s23+$0x0 ss:$0x1] =	vst.idx.msk $0xffff, v13;
	v8 =	vadd.f32 v8, v11  }
0xa5: {  	[tilespmem:v1+s28+$0x40 ss:$0x1] =	vst.idx.msk $0xffff, v7;
	v7 =	vld.idx.msk [tilespmem:v4+s26+$0x0 ss:$0x1], $0xffff;
	v9 =	vadd.f32 v9, v10  }
0xa6: {  	v18 =	vld.idx.msk [tilespmem:v0+s28+$0x40 ss:$0x1], $0xffff;
	[tilespmem:v1+s22+$0x40 ss:$0x1] =	vst.idx.msk $0xffff, v8  }
0xa7: {  	v8 =	vld.idx.msk [tilespmem:v0+s23+$0x0 ss:$0x1], $0xffff;
	v12 =	vadd.f32 v12, v6;
	[tilespmem:v0+s30+$0x40 ss:$0x1] =	vst.idx.msk $0xffff, v9  }
0xa8: {  	v13 =	vld.idx.msk [tilespmem:v2+s30+$0x40 ss:$0x1], $0xffff  }
0xa9: {  	v15 =	vadd.f32 v15, v16;
	[tilespmem:v1+s29+$0x40 ss:$0x1] =	vst.idx.msk $0xffff, v12;
	v12 =	vld.idx.msk [tilespmem:v4+s24+$0x0 ss:$0x1], $0xffff  }
0xaa: {  	v9 =	vld.idx.msk [tilespmem:v0+s29+$0x40 ss:$0x1], $0xffff;
	v17 =	vadd.f32 v17, v7  }
0xab: {  	[tilespmem:v1+s25+$0x0 ss:$0x1] =	vst.idx.msk $0xffff, v15;
	v18 =	vadd.f32 v18, v5  }
0xac: {  	v20 =	vld.idx.msk [tilespmem:v0+s22+$0x40 ss:$0x1], $0xffff;
	v8 =	vadd.f32 v8, v14;
	[tilespmem:v1+s26+$0x0 ss:$0x1] =	vst.idx.msk $0xffff, v17  }
0xad: {  	v27 =	vld.idx.msk [tilespmem:v0+s26+$0x0 ss:$0x1], $0xffff;
	[tilespmem:v0+s28+$0x40 ss:$0x1] =	vst.idx.msk $0xffff, v18;
	v13 =	vadd.f32 v13, v10  }
0xae: {  	[tilespmem:v0+s23+$0x0 ss:$0x1] =	vst.idx.msk $0xffff, v8;
	v26 =	vadd.f32 v19, v12;
	v15 =	vld.idx.msk [tilespmem:v2+s28+$0x40 ss:$0x1], $0xffff  }
0xaf: {  	v28 =	vld.idx.msk [tilespmem:v0+s25+$0x0 ss:$0x1], $0xffff;
	v9 =	vadd.f32 v9, v6;
	[tilespmem:v2+s30+$0x40 ss:$0x1] =	vst.idx.msk $0xffff, v13  }
0xb0: {  	[tilespmem:v1+s24+$0x0 ss:$0x1] =	vst.idx.msk $0xffff, v26;
	v8 =	vld.idx.msk [tilespmem:v3+s30+$0x40 ss:$0x1], $0xffff  }
0xb1: {  	v17 =	vld.idx.msk [tilespmem:v0+s24+$0x0 ss:$0x1], $0xffff;
	[tilespmem:v0+s29+$0x40 ss:$0x1] =	vst.idx.msk $0xffff, v9;
	v9 =	vadd.f32 v20, v11  }
0xb2: {  	v13 =	vld.idx.msk [tilespmem:v2+s29+$0x40 ss:$0x1], $0xffff;
	v19 =	vadd.f32 v27, v7  }
0xb3: {  	v29 =	vld.idx.msk [tilespmem:v2+s23+$0x0 ss:$0x1], $0xffff;
	[tilespmem:v0+s22+$0x40 ss:$0x1] =	vst.idx.msk $0xffff, v9;
	v9 =	vadd.f32 v15, v5  }
0xb4: {  	v15 =	vadd.f32 v28, v16;
	v30 =	vld.idx.msk [tilespmem:v2+s22+$0x40 ss:$0x1], $0xffff;
	[tilespmem:v0+s26+$0x0 ss:$0x1] =	vst.idx.msk $0xffff, v19  }
0xb5: {  	v19 =	vld.idx.msk [tilespmem:v2+s26+$0x0 ss:$0x1], $0xffff;
	[tilespmem:v2+s28+$0x40 ss:$0x1] =	vst.idx.msk $0xffff, v9;
	v8 =	vadd.f32 v8, v10  }
0xb6: {  	[tilespmem:v0+s25+$0x0 ss:$0x1] =	vst.idx.msk $0xffff, v15;
	v17 =	vadd.f32 v17, v12;
	v9 =	vld.idx.msk [tilespmem:v3+s28+$0x40 ss:$0x1], $0xffff  }
0xb7: {  	v15 =	vld.idx.msk [tilespmem:v2+s25+$0x0 ss:$0x1], $0xffff;
	v13 =	vadd.f32 v13, v6;
	[tilespmem:v3+s30+$0x40 ss:$0x1] =	vst.idx.msk $0xffff, v8  }
0xb8: {  	[tilespmem:v0+s24+$0x0 ss:$0x1] =	vst.idx.msk $0xffff, v17;
	v32 =	vld.idx.msk [tilespmem:v4+s30+$0x50 ss:$0x1], $0xffff  }
0xb9: {  	[tilespmem:v2+s29+$0x40 ss:$0x1] =	vst.idx.msk $0xffff, v13;
	v10 =	vld.idx.msk [tilespmem:v2+s24+$0x0 ss:$0x1], $0xffff;
	v13 =	vadd.f32 v29, v14  }
0xba: {  	v31 =	vadd.f32 v30, v11;
	v8 =	vld.idx.msk [tilespmem:v3+s29+$0x40 ss:$0x1], $0xffff  }
0xbb: {  	v33 =	vld.idx.msk [tilespmem:v1+s30+$0x50 ss:$0x1], $0xffff;
	[tilespmem:v2+s23+$0x0 ss:$0x1] =	vst.idx.msk $0xffff, v13;
	v13 =	vadd.f32 v19, v7  }
0xbc: {  	[tilespmem:v2+s22+$0x40 ss:$0x1] =	vst.idx.msk $0xffff, v31;
	v15 =	vadd.f32 v15, v16;
	v34 =	vld.idx.msk [tilespmem:v3+s23+$0x0 ss:$0x1], $0xffff  }
0xbd: {  	v5 =	vadd.f32 v9, v5;
	v9 =	vld.idx.msk [tilespmem:v3+s22+$0x40 ss:$0x1], $0xffff;
	[tilespmem:v2+s26+$0x0 ss:$0x1] =	vst.idx.msk $0xffff, v13  }
0xbe: {  	[tilespmem:v2+s25+$0x0 ss:$0x1] =	vst.idx.msk $0xffff, v15;
	v10 =	vadd.f32 v10, v12;
	v13 =	vld.idx.msk [tilespmem:v3+s26+$0x0 ss:$0x1], $0xffff  }
0xbf: {  	[tilespmem:v3+s28+$0x40 ss:$0x1] =	vst.idx.msk $0xffff, v5;
	v15 =	vld.idx.msk [tilespmem:v3+s25+$0x0 ss:$0x1], $0xffff;
	v5 =	vadd.f32 v8, v6  }
0xc0: {  	v6 =	vld.idx.msk [tilespmem:v4+s28+$0x50 ss:$0x1], $0xffff;
	[tilespmem:v2+s24+$0x0 ss:$0x1] =	vst.idx.msk $0xffff, v10  }
0xc1: {  	v8 =	vld.idx.msk [tilespmem:v3+s24+$0x0 ss:$0x1], $0xffff;
	[tilespmem:v3+s29+$0x40 ss:$0x1] =	vst.idx.msk $0xffff, v5  }
0xc2: {  	v5 =	vadd.f32 v34, v14;
	v10 =	vld.idx.msk [tilespmem:v1+s29+$0x50 ss:$0x1], $0xffff  }
0xc3: {  	v14 =	vadd.f32 v33, v32;
	v35 =	vld.idx.msk [tilespmem:v4+s29+$0x50 ss:$0x1], $0xffff  }
0xc4: {  	v9 =	vadd.f32 v9, v11;
	[tilespmem:v3+s23+$0x0 ss:$0x1] =	vst.idx.msk $0xffff, v5;
	v5 =	vld.idx.msk [tilespmem:v1+s28+$0x50 ss:$0x1], $0xffff  }
0xc5: {  	[tilespmem:v1+s30+$0x50 ss:$0x1] =	vst.idx.msk $0xffff, v14;
	v14 =	vld.idx.msk [tilespmem:v4+s23+$0x10 ss:$0x1], $0xffff  }
0xc6: {  	v15 =	vadd.f32 v15, v16;
	v7 =	vadd.f32 v13, v7;
	[tilespmem:v3+s22+$0x40 ss:$0x1] =	vst.idx.msk $0xffff, v9;
	v13 =	vld.idx.msk [tilespmem:v0+s30+$0x50 ss:$0x1], $0xffff  }
0xc7: {  	v38 =	vld.idx.msk [tilespmem:v4+s22+$0x50 ss:$0x1], $0xffff  }
0xc8: {  	[tilespmem:v3+s25+$0x0 ss:$0x1] =	vst.idx.msk $0xffff, v15;
	v8 =	vadd.f32 v8, v12;
	v12 =	vld.idx.msk [tilespmem:v1+s23+$0x10 ss:$0x1], $0xffff  }
0xc9: {  	[tilespmem:v3+s26+$0x0 ss:$0x1] =	vst.idx.msk $0xffff, v7;
	v7 =	vld.idx.msk [tilespmem:v4+s25+$0x10 ss:$0x1], $0xffff  }
0xca: {  	[tilespmem:v3+s24+$0x0 ss:$0x1] =	vst.idx.msk $0xffff, v8;
	v8 =	vld.idx.msk [tilespmem:v1+s26+$0x10 ss:$0x1], $0xffff  }
0xcb: {  	v10 =	vadd.f32 v10, v35;
	v15 =	vld.idx.msk [tilespmem:v4+s24+$0x10 ss:$0x1], $0xffff  }
0xcc: {  	v5 =	vadd.f32 v5, v6;
	v36 =	vld.idx.msk [tilespmem:v1+s24+$0x10 ss:$0x1], $0xffff  }
0xcd: {  	[tilespmem:v1+s29+$0x50 ss:$0x1] =	vst.idx.msk $0xffff, v10;
	v10 =	vld.idx.msk [tilespmem:v1+s25+$0x10 ss:$0x1], $0xffff  }
0xce: {  	v13 =	vadd.f32 v13, v32;
	v37 =	vld.idx.msk [tilespmem:v0+s29+$0x50 ss:$0x1], $0xffff;
	[tilespmem:v1+s28+$0x50 ss:$0x1] =	vst.idx.msk $0xffff, v5  }
0xcf: {  	v5 =	vadd.f32 v12, v14;
	v11 =	vld.idx.msk [tilespmem:v0+s28+$0x50 ss:$0x1], $0xffff  }
0xd0: {  	v12 =	vld.idx.msk [tilespmem:v4+s26+$0x10 ss:$0x1], $0xffff;
	[tilespmem:v0+s30+$0x50 ss:$0x1] =	vst.idx.msk $0xffff, v13  }
0xd1: {  	[tilespmem:v1+s23+$0x10 ss:$0x1] =	vst.idx.msk $0xffff, v5;
	v5 =	vld.idx.msk [tilespmem:v2+s30+$0x50 ss:$0x1], $0xffff;
	v9 =	vadd.f32 v36, v15  }
0xd2: {  	v13 =	vld.idx.msk [tilespmem:v0+s23+$0x10 ss:$0x1], $0xffff;
	v10 =	vadd.f32 v10, v7  }
0xd3: {  	v19 =	vadd.f32 v37, v35;
	[tilespmem:v1+s24+$0x10 ss:$0x1] =	vst.idx.msk $0xffff, v9;
	v9 =	vld.idx.msk [tilespmem:v1+s22+$0x50 ss:$0x1], $0xffff  }
0xd4: {  	[tilespmem:v1+s25+$0x10 ss:$0x1] =	vst.idx.msk $0xffff, v10;
	v10 =	vadd.f32 v11, v6;
	v39 =	vld.idx.msk [tilespmem:v0+s24+$0x10 ss:$0x1], $0xffff  }
0xd5: {  	v8 =	vadd.f32 v8, v12;
	v11 =	vld.idx.msk [tilespmem:v0+s25+$0x10 ss:$0x1], $0xffff;
	[tilespmem:v0+s29+$0x50 ss:$0x1] =	vst.idx.msk $0xffff, v19  }
0xd6: {  	v5 =	vadd.f32 v5, v32;
	v19 =	vld.idx.msk [tilespmem:v2+s29+$0x50 ss:$0x1], $0xffff;
	[tilespmem:v0+s28+$0x50 ss:$0x1] =	vst.idx.msk $0xffff, v10  }
0xd7: {  	[tilespmem:v1+s26+$0x10 ss:$0x1] =	vst.idx.msk $0xffff, v8;
	v10 =	vadd.f32 v13, v14;
	v8 =	vld.idx.msk [tilespmem:v2+s28+$0x50 ss:$0x1], $0xffff  }
0xd8: {  	v13 =	vld.idx.msk [tilespmem:v0+s26+$0x10 ss:$0x1], $0xffff;
	[tilespmem:v2+s30+$0x50 ss:$0x1] =	vst.idx.msk $0xffff, v5;
	v5 =	vadd.f32 v9, v38  }
0xd9: {  	[tilespmem:v0+s23+$0x10 ss:$0x1] =	vst.idx.msk $0xffff, v10;
	v10 =	vld.idx.msk [tilespmem:v3+s30+$0x50 ss:$0x1], $0xffff;
	v9 =	vadd.f32 v39, v15  }
0xda: {  	v40 =	vld.idx.msk [tilespmem:v2+s23+$0x10 ss:$0x1], $0xffff;
	v11 =	vadd.f32 v11, v7;
	[tilespmem:v1+s22+$0x50 ss:$0x1] =	vst.idx.msk $0xffff, v5  }
0xdb: {  	[tilespmem:v0+s24+$0x10 ss:$0x1] =	vst.idx.msk $0xffff, v9;
	v5 =	vld.idx.msk [tilespmem:v0+s22+$0x50 ss:$0x1], $0xffff;
	v9 =	vadd.f32 v19, v35  }
0xdc: {  	[tilespmem:v0+s25+$0x10 ss:$0x1] =	vst.idx.msk $0xffff, v11;
	v8 =	vadd.f32 v8, v6;
	v41 =	vld.idx.msk [tilespmem:v2+s24+$0x10 ss:$0x1], $0xffff  }
0xdd: {  	v11 =	vadd.f32 v13, v12;
	[tilespmem:v2+s29+$0x50 ss:$0x1] =	vst.idx.msk $0xffff, v9;
	v9 =	vld.idx.msk [tilespmem:v2+s25+$0x10 ss:$0x1], $0xffff  }
0xde: {  	v10 =	vadd.f32 v10, v32;
	[tilespmem:v2+s28+$0x50 ss:$0x1] =	vst.idx.msk $0xffff, v8;
	v8 =	vld.idx.msk [tilespmem:v3+s29+$0x50 ss:$0x1], $0xffff  }
0xdf: {  	[tilespmem:v0+s26+$0x10 ss:$0x1] =	vst.idx.msk $0xffff, v11;
	v11 =	vld.idx.msk [tilespmem:v3+s28+$0x50 ss:$0x1], $0xffff;
	v13 =	vadd.f32 v40, v14  }
0xe0: {  	v42 =	vld.idx.msk [tilespmem:v2+s26+$0x10 ss:$0x1], $0xffff;
	[tilespmem:v3+s30+$0x50 ss:$0x1] =	vst.idx.msk $0xffff, v10;
	v5 =	vadd.f32 v5, v38  }
0xe1: {  	v43 =	vld.idx.msk [tilespmem:v4+s30+$0x60 ss:$0x1], $0xffff;
	[tilespmem:v2+s23+$0x10 ss:$0x1] =	vst.idx.msk $0xffff, v13;
	v10 =	vadd.f32 v41, v15  }
0xe2: {  	v13 =	vld.idx.msk [tilespmem:v1+s30+$0x60 ss:$0x1], $0xffff;
	[tilespmem:v0+s22+$0x50 ss:$0x1] =	vst.idx.msk $0xffff, v5  }
0xe3: {  	v9 =	vadd.f32 v9, v7;
	[tilespmem:v2+s24+$0x10 ss:$0x1] =	vst.idx.msk $0xffff, v10;
	v10 =	vld.idx.msk [tilespmem:v3+s23+$0x10 ss:$0x1], $0xffff  }
0xe4: {  	v5 =	vadd.f32 v8, v35;
	v8 =	vld.idx.msk [tilespmem:v2+s22+$0x50 ss:$0x1], $0xffff  }
0xe5: {  	v44 =	vld.idx.msk [tilespmem:v3+s24+$0x10 ss:$0x1], $0xffff;
	[tilespmem:v2+s25+$0x10 ss:$0x1] =	vst.idx.msk $0xffff, v9  }
0xe6: {  	v6 =	vadd.f32 v11, v6;
	v9 =	vld.idx.msk [tilespmem:v3+s25+$0x10 ss:$0x1], $0xffff;
	[tilespmem:v3+s29+$0x50 ss:$0x1] =	vst.idx.msk $0xffff, v5  }
0xe7: {  	v5 =	vld.idx.msk [tilespmem:v4+s29+$0x60 ss:$0x1], $0xffff  }
0xe8: {  	[tilespmem:v3+s28+$0x50 ss:$0x1] =	vst.idx.msk $0xffff, v6;
	v6 =	vadd.f32 v13, v43;
	v11 =	vld.idx.msk [tilespmem:v1+s29+$0x60 ss:$0x1], $0xffff  }
0xe9: {  	v13 =	vld.idx.msk [tilespmem:v4+s28+$0x60 ss:$0x1], $0xffff;
	v10 =	vadd.f32 v10, v14  }
0xea: {  	[tilespmem:v1+s30+$0x60 ss:$0x1] =	vst.idx.msk $0xffff, v6;
	v6 =	vld.idx.msk [tilespmem:v1+s28+$0x60 ss:$0x1], $0xffff;
	v14 =	vadd.f32 v44, v15  }
0xeb: {  	[tilespmem:v3+s23+$0x10 ss:$0x1] =	vst.idx.msk $0xffff, v10;
	v10 =	vld.idx.msk [tilespmem:v0+s30+$0x60 ss:$0x1], $0xffff  }
0xec: {  	[tilespmem:v3+s24+$0x10 ss:$0x1] =	vst.idx.msk $0xffff, v14;
	v14 =	vld.idx.msk [tilespmem:v4+s23+$0x20 ss:$0x1], $0xffff  }
0xed: {  	v7 =	vadd.f32 v9, v7;
	v15 =	vld.idx.msk [tilespmem:v1+s23+$0x20 ss:$0x1], $0xffff  }
0xee: {  	v9 =	vld.idx.msk [tilespmem:v4+s24+$0x20 ss:$0x1], $0xffff  }
0xef: {  	v45 =	vadd.f32 v42, v12;
	v46 =	vld.idx.msk [tilespmem:v1+s24+$0x20 ss:$0x1], $0xffff;
	[tilespmem:v3+s25+$0x10 ss:$0x1] =	vst.idx.msk $0xffff, v7  }
0xf0: {  	v7 =	vadd.f32 v11, v5;
	v11 =	vld.idx.msk [tilespmem:v4+s25+$0x20 ss:$0x1], $0xffff  }
0xf1: {  	[tilespmem:v2+s26+$0x10 ss:$0x1] =	vst.idx.msk $0xffff, v45;
	v6 =	vadd.f32 v6, v13;
	v47 =	vld.idx.msk [tilespmem:v1+s25+$0x20 ss:$0x1], $0xffff  }
0xf2: {  	[tilespmem:v1+s29+$0x60 ss:$0x1] =	vst.idx.msk $0xffff, v7;
	v7 =	vadd.f32 v10, v43;
	v10 =	vld.idx.msk [tilespmem:v3+s26+$0x10 ss:$0x1], $0xffff  }
0xf3: {  	v8 =	vadd.f32 v8, v38;
	[tilespmem:v1+s28+$0x60 ss:$0x1] =	vst.idx.msk $0xffff, v6;
	v6 =	vld.idx.msk [tilespmem:v0+s29+$0x60 ss:$0x1], $0xffff  }
0xf4: {  	[tilespmem:v0+s30+$0x60 ss:$0x1] =	vst.idx.msk $0xffff, v7;
	v7 =	vadd.f32 v15, v14;
	v15 =	vld.idx.msk [tilespmem:v0+s28+$0x60 ss:$0x1], $0xffff  }
0xf5: {  	[tilespmem:v2+s22+$0x50 ss:$0x1] =	vst.idx.msk $0xffff, v8;
	v8 =	vadd.f32 v46, v9;
	v48 =	vld.idx.msk [tilespmem:v2+s30+$0x60 ss:$0x1], $0xffff  }
0xf6: {  	v17 =	vadd.f32 v47, v11;
	[tilespmem:v1+s23+$0x20 ss:$0x1] =	vst.idx.msk $0xffff, v7;
	v7 =	vld.idx.msk [tilespmem:v3+s22+$0x50 ss:$0x1], $0xffff  }
0xf7: {  	[tilespmem:v1+s24+$0x20 ss:$0x1] =	vst.idx.msk $0xffff, v8;
	v8 =	vld.idx.msk [tilespmem:v0+s23+$0x20 ss:$0x1], $0xffff;
	v10 =	vadd.f32 v10, v12  }
0xf8: {  	v12 =	vld.idx.msk [tilespmem:v0+s24+$0x20 ss:$0x1], $0xffff;
	[tilespmem:v1+s25+$0x20 ss:$0x1] =	vst.idx.msk $0xffff, v17;
	v6 =	vadd.f32 v6, v5  }
0xf9: {  	v17 =	vld.idx.msk [tilespmem:v0+s25+$0x20 ss:$0x1], $0xffff;
	[tilespmem:v3+s26+$0x10 ss:$0x1] =	vst.idx.msk $0xffff, v10;
	v10 =	vadd.f32 v15, v13  }
0xfa: {  	[tilespmem:v0+s29+$0x60 ss:$0x1] =	vst.idx.msk $0xffff, v6;
	v15 =	vld.idx.msk [tilespmem:v4+s26+$0x20 ss:$0x1], $0xffff;
	v18 =	vadd.f32 v48, v43  }
0xfb: {  	v6 =	vld.idx.msk [tilespmem:v1+s26+$0x20 ss:$0x1], $0xffff;
	[tilespmem:v0+s28+$0x60 ss:$0x1] =	vst.idx.msk $0xffff, v10;
	v7 =	vadd.f32 v7, v38  }
0xfc: {  	v10 =	vld.idx.msk [tilespmem:v2+s29+$0x60 ss:$0x1], $0xffff;
	v8 =	vadd.f32 v8, v14;
	[tilespmem:v2+s30+$0x60 ss:$0x1] =	vst.idx.msk $0xffff, v18  }
0xfd: {  	v49 =	vld.idx.msk [tilespmem:v2+s28+$0x60 ss:$0x1], $0xffff;
	[tilespmem:v3+s22+$0x50 ss:$0x1] =	vst.idx.msk $0xffff, v7  }
0xfe: {  	v12 =	vadd.f32 v12, v9;
	[tilespmem:v0+s23+$0x20 ss:$0x1] =	vst.idx.msk $0xffff, v8;
	v8 =	vld.idx.msk [tilespmem:v3+s30+$0x60 ss:$0x1], $0xffff  }
0xff: {  	v51 =	vld.idx.msk [tilespmem:v4+s22+$0x60 ss:$0x1], $0xffff  }
0x100: {  	v7 =	vadd.f32 v17, v11;
	[tilespmem:v0+s24+$0x20 ss:$0x1] =	vst.idx.msk $0xffff, v12;
	v12 =	vld.idx.msk [tilespmem:v2+s23+$0x20 ss:$0x1], $0xffff  }
0x101: {  	v50 =	vld.idx.msk [tilespmem:v2+s24+$0x20 ss:$0x1], $0xffff;
	v6 =	vadd.f32 v6, v15  }
0x102: {  	[tilespmem:v0+s25+$0x20 ss:$0x1] =	vst.idx.msk $0xffff, v7;
	v7 =	vld.idx.msk [tilespmem:v1+s22+$0x60 ss:$0x1], $0xffff;
	v10 =	vadd.f32 v10, v5  }
0x103: {  	v52 =	vld.idx.msk [tilespmem:v2+s25+$0x20 ss:$0x1], $0xffff;
	[tilespmem:v1+s26+$0x20 ss:$0x1] =	vst.idx.msk $0xffff, v6;
	v6 =	vadd.f32 v49, v13  }
0x104: {  	v53 =	vld.idx.msk [tilespmem:v0+s26+$0x20 ss:$0x1], $0xffff;
	[tilespmem:v2+s29+$0x60 ss:$0x1] =	vst.idx.msk $0xffff, v10;
	v8 =	vadd.f32 v8, v43  }
0x105: {  	[tilespmem:v2+s28+$0x60 ss:$0x1] =	vst.idx.msk $0xffff, v6;
	v6 =	vld.idx.msk [tilespmem:v3+s29+$0x60 ss:$0x1], $0xffff  }
0x106: {  	v10 =	vadd.f32 v50, v9;
	[tilespmem:v3+s30+$0x60 ss:$0x1] =	vst.idx.msk $0xffff, v8;
	v8 =	vld.idx.msk [tilespmem:v3+s28+$0x60 ss:$0x1], $0xffff  }
0x107: {  	v12 =	vadd.f32 v12, v14;
	v54 =	vld.idx.msk [tilespmem:v4+s30+$0x70 ss:$0x1], $0xffff  }
0x108: {  	v7 =	vadd.f32 v7, v51;
	[tilespmem:v2+s24+$0x20 ss:$0x1] =	vst.idx.msk $0xffff, v10;
	v10 =	vld.idx.msk [tilespmem:v1+s30+$0x70 ss:$0x1], $0xffff  }
0x109: {  	v55 =	vadd.f32 v52, v11;
	[tilespmem:v2+s23+$0x20 ss:$0x1] =	vst.idx.msk $0xffff, v12;
	v12 =	vld.idx.msk [tilespmem:v3+s24+$0x20 ss:$0x1], $0xffff  }
0x10a: {  	[tilespmem:v1+s22+$0x60 ss:$0x1] =	vst.idx.msk $0xffff, v7;
	v56 =	vld.idx.msk [tilespmem:v3+s23+$0x20 ss:$0x1], $0xffff;
	v18 =	vadd.f32 v53, v15  }
0x10b: {  	[tilespmem:v2+s25+$0x20 ss:$0x1] =	vst.idx.msk $0xffff, v55;
	v7 =	vld.idx.msk [tilespmem:v0+s22+$0x60 ss:$0x1], $0xffff;
	v5 =	vadd.f32 v6, v5  }
0x10c: {  	v6 =	vld.idx.msk [tilespmem:v3+s25+$0x20 ss:$0x1], $0xffff;
	[tilespmem:v0+s26+$0x20 ss:$0x1] =	vst.idx.msk $0xffff, v18;
	v8 =	vadd.f32 v8, v13  }
0x10d: {  	v13 =	vld.idx.msk [tilespmem:v2+s26+$0x20 ss:$0x1], $0xffff;
	[tilespmem:v3+s29+$0x60 ss:$0x1] =	vst.idx.msk $0xffff, v5  }
0x10e: {  	v5 =	vadd.f32 v10, v54;
	[tilespmem:v3+s28+$0x60 ss:$0x1] =	vst.idx.msk $0xffff, v8;
	v8 =	vld.idx.msk [tilespmem:v4+s29+$0x70 ss:$0x1], $0xffff  }
0x10f: {  	v9 =	vadd.f32 v12, v9;
	v10 =	vld.idx.msk [tilespmem:v1+s28+$0x70 ss:$0x1], $0xffff  }
0x110: {  	[tilespmem:v1+s30+$0x70 ss:$0x1] =	vst.idx.msk $0xffff, v5;
	v12 =	vld.idx.msk [tilespmem:v4+s28+$0x70 ss:$0x1], $0xffff  }
0x111: {  	v7 =	vadd.f32 v7, v51;
	[tilespmem:v3+s24+$0x20 ss:$0x1] =	vst.idx.msk $0xffff, v9;
	v5 =	vld.idx.msk [tilespmem:v0+s30+$0x70 ss:$0x1], $0xffff  }
0x112: {  	v6 =	vadd.f32 v6, v11;
	v9 =	vld.idx.msk [tilespmem:v4+s24+$0x30 ss:$0x1], $0xffff  }
0x113: {  	[tilespmem:v0+s22+$0x60 ss:$0x1] =	vst.idx.msk $0xffff, v7;
	v11 =	vld.idx.msk [tilespmem:v1+s24+$0x30 ss:$0x1], $0xffff  }
0x114: {  	v13 =	vadd.f32 v13, v15;
	[tilespmem:v3+s25+$0x20 ss:$0x1] =	vst.idx.msk $0xffff, v6;
	v6 =	vld.idx.msk [tilespmem:v2+s22+$0x60 ss:$0x1], $0xffff  }
0x115: {  	v57 =	vld.idx.msk [tilespmem:v4+s25+$0x30 ss:$0x1], $0xffff  }
0x116: {  	v7 =	vadd.f32 v56, v14;
	v14 =	vld.idx.msk [tilespmem:v1+s25+$0x30 ss:$0x1], $0xffff;
	[tilespmem:v2+s26+$0x20 ss:$0x1] =	vst.idx.msk $0xffff, v13  }
0x117: {  	v13 =	vld.idx.msk [tilespmem:v3+s26+$0x20 ss:$0x1], $0xffff;
	v10 =	vadd.f32 v10, v12  }
0x118: {  	[tilespmem:v3+s23+$0x20 ss:$0x1] =	vst.idx.msk $0xffff, v7;
	v7 =	vld.idx.msk [tilespmem:v1+s29+$0x70 ss:$0x1], $0xffff  }
0x119: {  	v58 =	vld.idx.msk [tilespmem:v4+s23+$0x30 ss:$0x1], $0xffff;
	v11 =	vadd.f32 v11, v9;
	[tilespmem:v1+s28+$0x70 ss:$0x1] =	vst.idx.msk $0xffff, v10  }
0x11a: {  	v6 =	vadd.f32 v6, v51;
	v10 =	vld.idx.msk [tilespmem:v0+s28+$0x70 ss:$0x1], $0xffff  }
0x11b: {  	v5 =	vadd.f32 v5, v54;
	[tilespmem:v1+s24+$0x30 ss:$0x1] =	vst.idx.msk $0xffff, v11;
	v11 =	vld.idx.msk [tilespmem:v1+s23+$0x30 ss:$0x1], $0xffff  }
0x11c: {  	[tilespmem:v2+s22+$0x60 ss:$0x1] =	vst.idx.msk $0xffff, v6;
	v59 =	vld.idx.msk [tilespmem:v0+s24+$0x30 ss:$0x1], $0xffff;
	v13 =	vadd.f32 v13, v15  }
0x11d: {  	[tilespmem:v0+s30+$0x70 ss:$0x1] =	vst.idx.msk $0xffff, v5;
	v5 =	vld.idx.msk [tilespmem:v3+s22+$0x60 ss:$0x1], $0xffff  }
0x11e: {  	v7 =	vadd.f32 v7, v8;
	v6 =	vadd.f32 v14, v57;
	v14 =	vld.idx.msk [tilespmem:v2+s30+$0x70 ss:$0x1], $0xffff;
	[tilespmem:v3+s26+$0x20 ss:$0x1] =	vst.idx.msk $0xffff, v13  }
0x11f: {  	v13 =	vld.idx.msk [tilespmem:v4+s26+$0x30 ss:$0x1], $0xffff  }
0x120: {  	[tilespmem:v1+s29+$0x70 ss:$0x1] =	vst.idx.msk $0xffff, v7;
	v15 =	vld.idx.msk [tilespmem:v1+s26+$0x30 ss:$0x1], $0xffff;
	v11 =	vadd.f32 v11, v58  }
0x121: {  	[tilespmem:v1+s25+$0x30 ss:$0x1] =	vst.idx.msk $0xffff, v6;
	v60 =	vld.idx.msk [tilespmem:v0+s29+$0x70 ss:$0x1], $0xffff;
	v6 =	vadd.f32 v59, v9  }
0x122: {  	v7 =	vld.idx.msk [tilespmem:v0+s25+$0x30 ss:$0x1], $0xffff;
	v5 =	vadd.f32 v5, v51;
	[tilespmem:v1+s23+$0x30 ss:$0x1] =	vst.idx.msk $0xffff, v11  }
0x123: {  	[tilespmem:v0+s24+$0x30 ss:$0x1] =	vst.idx.msk $0xffff, v6;
	v6 =	vld.idx.msk [tilespmem:v0+s23+$0x30 ss:$0x1], $0xffff  }
0x124: {  	v10 =	vadd.f32 v10, v12;
	[tilespmem:v3+s22+$0x60 ss:$0x1] =	vst.idx.msk $0xffff, v5;
	v11 =	vld.idx.msk [tilespmem:v2+s24+$0x30 ss:$0x1], $0xffff  }
0x125: {  	v15 =	vadd.f32 v15, v13;
	v5 =	vld.idx.msk [tilespmem:v4+s22+$0x70 ss:$0x1], $0xffff  }
0x126: {  	[tilespmem:v0+s28+$0x70 ss:$0x1] =	vst.idx.msk $0xffff, v10;
	v20 =	vadd.f32 v60, v8;
	v10 =	vld.idx.msk [tilespmem:v1+s22+$0x70 ss:$0x1], $0xffff  }
0x127: {  	v61 =	vld.idx.msk [tilespmem:v2+s28+$0x70 ss:$0x1], $0xffff;
	v7 =	vadd.f32 v7, v57;
	[tilespmem:v1+s26+$0x30 ss:$0x1] =	vst.idx.msk $0xffff, v15  }
0x128: {  	[tilespmem:v0+s29+$0x70 ss:$0x1] =	vst.idx.msk $0xffff, v20;
	v15 =	vld.idx.msk [tilespmem:v0+s26+$0x30 ss:$0x1], $0xffff;
	v6 =	vadd.f32 v6, v58  }
0x129: {  	[tilespmem:v0+s25+$0x30 ss:$0x1] =	vst.idx.msk $0xffff, v7;
	v7 =	vadd.f32 v11, v9  }
0x12a: {  	v14 =	vadd.f32 v14, v54;
	v11 =	vld.idx.msk [tilespmem:v2+s25+$0x30 ss:$0x1], $0xffff;
	[tilespmem:v0+s23+$0x30 ss:$0x1] =	vst.idx.msk $0xffff, v6  }
0x12b: {  	v20 =	vld.idx.msk [tilespmem:v2+s29+$0x70 ss:$0x1], $0xffff;
	[tilespmem:v2+s24+$0x30 ss:$0x1] =	vst.idx.msk $0xffff, v7;
	v7 =	vadd.f32 v10, v5  }
0x12c: {  	[tilespmem:v2+s30+$0x70 ss:$0x1] =	vst.idx.msk $0xffff, v14;
	v6 =	vld.idx.msk [tilespmem:v2+s23+$0x30 ss:$0x1], $0xffff;
	v10 =	vadd.f32 v61, v12  }
0x12d: {  	v14 =	vld.idx.msk [tilespmem:v3+s24+$0x30 ss:$0x1], $0xffff;
	v15 =	vadd.f32 v15, v13;
	[tilespmem:v1+s22+$0x70 ss:$0x1] =	vst.idx.msk $0xffff, v7  }
0x12e: {  	v62 =	vld.idx.msk [tilespmem:v3+s30+$0x70 ss:$0x1], $0xffff;
	[tilespmem:v2+s28+$0x70 ss:$0x1] =	vst.idx.msk $0xffff, v10  }
0x12f: {  	v7 =	vadd.f32 v11, v57;
	v10 =	vld.idx.msk [tilespmem:v0+s22+$0x70 ss:$0x1], $0xffff;
	[tilespmem:v0+s26+$0x30 ss:$0x1] =	vst.idx.msk $0xffff, v15  }
0x130: {  	v20 =	vadd.f32 v20, v8;
	v15 =	vld.idx.msk [tilespmem:v2+s26+$0x30 ss:$0x1], $0xffff  }
0x131: {  	v11 =	vld.idx.msk [tilespmem:v3+s28+$0x70 ss:$0x1], $0xffff;
	v6 =	vadd.f32 v6, v58;
	[tilespmem:v2+s25+$0x30 ss:$0x1] =	vst.idx.msk $0xffff, v7  }
0x132: {  	[tilespmem:v2+s29+$0x70 ss:$0x1] =	vst.idx.msk $0xffff, v20;
	v7 =	vadd.f32 v14, v9;
	v9 =	vld.idx.msk [tilespmem:v3+s25+$0x30 ss:$0x1], $0xffff  }
0x133: {  	v14 =	vld.idx.msk [tilespmem:v3+s29+$0x70 ss:$0x1], $0xffff;
	[tilespmem:v2+s23+$0x30 ss:$0x1] =	vst.idx.msk $0xffff, v6  }
0x134: {  	[tilespmem:v3+s24+$0x30 ss:$0x1] =	vst.idx.msk $0xffff, v7;
	v6 =	vld.idx.msk [tilespmem:v3+s23+$0x30 ss:$0x1], $0xffff;
	v10 =	vadd.f32 v10, v5  }
0x135: {  	v7 =	vld.idx.msk [tilespmem:v4+s24+$0x40 ss:$0x1], $0xffff;
	v15 =	vadd.f32 v15, v13  }
0x136: {  	v16 =	vadd.f32 v62, v54;
	v63 =	vld.idx.msk [tilespmem:v1+s24+$0x40 ss:$0x1], $0xffff;
	[tilespmem:v0+s22+$0x70 ss:$0x1] =	vst.idx.msk $0xffff, v10  }
0x137: {  	v9 =	vadd.f32 v9, v57;
	v10 =	vld.idx.msk [tilespmem:v2+s22+$0x70 ss:$0x1], $0xffff;
	[tilespmem:v2+s26+$0x30 ss:$0x1] =	vst.idx.msk $0xffff, v15  }
0x138: {  	[tilespmem:v3+s30+$0x70 ss:$0x1] =	vst.idx.msk $0xffff, v16;
	v11 =	vadd.f32 v11, v12;
	v12 =	vld.idx.msk [tilespmem:v3+s26+$0x30 ss:$0x1], $0xffff  }
0x139: {  	v6 =	vadd.f32 v6, v58;
	[tilespmem:v3+s25+$0x30 ss:$0x1] =	vst.idx.msk $0xffff, v9  }
0x13a: {  	[tilespmem:v3+s28+$0x70 ss:$0x1] =	vst.idx.msk $0xffff, v11;
	v9 =	vadd.f32 v14, v8;
	v8 =	vld.idx.msk [tilespmem:v4+s25+$0x40 ss:$0x1], $0xffff  }
0x13b: {  	v14 =	vadd.f32 v63, v7;
	v11 =	vld.idx.msk [tilespmem:v1+s25+$0x40 ss:$0x1], $0xffff;
	[tilespmem:v3+s23+$0x30 ss:$0x1] =	vst.idx.msk $0xffff, v6  }
0x13c: {  	[tilespmem:v3+s29+$0x70 ss:$0x1] =	vst.idx.msk $0xffff, v9;
	v6 =	vld.idx.msk [tilespmem:v4+s23+$0x40 ss:$0x1], $0xffff;
	v15 =	vadd.f32 v10, v5  }
0x13d: {  	[tilespmem:v1+s24+$0x40 ss:$0x1] =	vst.idx.msk $0xffff, v14;
	v10 =	vld.idx.msk [tilespmem:v1+s23+$0x40 ss:$0x1], $0xffff;
	v12 =	vadd.f32 v12, v13  }
0x13e: {  	s28 =	simm.s32 $0x8;
	v9 =	vld.idx.msk [tilespmem:v0+s24+$0x40 ss:$0x1], $0xffff;
	[tilespmem:v2+s22+$0x70 ss:$0x1] =	vst.idx.msk $0xffff, v15  }
.LBB2_3:
0x13f: {  	s31 =	sshll.u32 s28, $0x7;
	p0 =	slt.u32 s28, $0x3C;
	s28 =	sadd.s32 $0x4, s28;
	[tilespmem:v3+s26+$0x30 ss:$0x1] =	vst.idx.msk $0xffff, v12;
	v12 =	vld.idx.msk [tilespmem:v3+s22+$0x70 ss:$0x1], $0xffff  }
0x140: {  	v11 =	vadd.f32 v11, v8;
	s0 =	sor.u32 $0x80, s31;
	v13 =	vld.idx.msk [tilespmem:v4+s26+$0x40 ss:$0x1], $0xffff  }
0x141: {  	v14 =	vld.idx.msk [tilespmem:v1+s26+$0x40 ss:$0x1], $0xffff  }
0x142: {  	s30 =	sor.u32 $0x100, s31;
	v10 =	vadd.f32 v10, v6;
	v15 =	vld.idx.msk [tilespmem:v1+s0+$0x0 ss:$0x1], $0xffff;
	[tilespmem:v1+s25+$0x40 ss:$0x1] =	vst.idx.msk $0xffff, v11  }
0x143: {  	v16 =	vadd.f32 v9, v7;
	v11 =	vld.idx.msk [tilespmem:v4+s0+$0x0 ss:$0x1], $0xffff  }
0x144: {  	s29 =	sor.u32 $0x180, s31;
	v17 =	vld.idx.msk [tilespmem:v1+s30+$0x0 ss:$0x1], $0xffff;
	[tilespmem:v1+s23+$0x40 ss:$0x1] =	vst.idx.msk $0xffff, v10  }
0x145: {  	v5 =	vadd.f32 v12, v5;
	v9 =	vld.idx.msk [tilespmem:v4+s30+$0x0 ss:$0x1], $0xffff;
	[tilespmem:v0+s24+$0x40 ss:$0x1] =	vst.idx.msk $0xffff, v16  }
0x146: {  	v10 =	vld.idx.msk [tilespmem:v1+s29+$0x0 ss:$0x1], $0xffff  }
0x147: {  	v14 =	vadd.f32 v14, v13;
	v12 =	vld.idx.msk [tilespmem:v4+s29+$0x0 ss:$0x1], $0xffff;
	[tilespmem:v3+s22+$0x70 ss:$0x1] =	vst.idx.msk $0xffff, v5;
	s22 =	smov.u32 s23;
	s23 =	smov.u32 s0  }
0x148: {  	v5 =	vld.idx.msk [tilespmem:v0+s25+$0x40 ss:$0x1], $0xffff  }
0x149: {  	v15 =	vadd.f32 v15, v11;
	v16 =	vld.idx.msk [tilespmem:v1+s31+$0x0 ss:$0x1], $0xffff;
	[tilespmem:v1+s26+$0x40 ss:$0x1] =	vst.idx.msk $0xffff, v14  }
0x14a: {  	v14 =	vld.idx.msk [tilespmem:v4+s31+$0x0 ss:$0x1], $0xffff  }
0x14b: {  	v17 =	vadd.f32 v17, v9;
	v18 =	vld.idx.msk [tilespmem:v0+s26+$0x40 ss:$0x1], $0xffff  }
0x14c: {  	[tilespmem:v1+s23+$0x0 ss:$0x1] =	vst.idx.msk $0xffff, v15;
	v15 =	vld.idx.msk [tilespmem:v2+s24+$0x40 ss:$0x1], $0xffff  }
0x14d: {  	v10 =	vadd.f32 v10, v12;
	v19 =	vld.idx.msk [tilespmem:v0+s23+$0x0 ss:$0x1], $0xffff  }
0x14e: {  	v5 =	vadd.f32 v5, v8;
	[tilespmem:v1+s30+$0x0 ss:$0x1] =	vst.idx.msk $0xffff, v17;
	v17 =	vld.idx.msk [tilespmem:v0+s22+$0x40 ss:$0x1], $0xffff  }
0x14f: {  	v20 =	vld.idx.msk [tilespmem:v0+s30+$0x0 ss:$0x1], $0xffff;
	[tilespmem:v1+s29+$0x0 ss:$0x1] =	vst.idx.msk $0xffff, v10  }
0x150: {  	v10 =	vadd.f32 v16, v14;
	v16 =	vld.idx.msk [tilespmem:v0+s29+$0x0 ss:$0x1], $0xffff;
	[tilespmem:v0+s25+$0x40 ss:$0x1] =	vst.idx.msk $0xffff, v5  }
0x151: {  	v18 =	vadd.f32 v18, v13;
	v5 =	vld.idx.msk [tilespmem:v2+s25+$0x40 ss:$0x1], $0xffff  }
0x152: {  	[tilespmem:v1+s31+$0x0 ss:$0x1] =	vst.idx.msk $0xffff, v10;
	v10 =	vadd.f32 v15, v7  }
0x153: {  	v19 =	vadd.f32 v19, v11;
	v15 =	vld.idx.msk [tilespmem:v0+s31+$0x0 ss:$0x1], $0xffff;
	[tilespmem:v0+s26+$0x40 ss:$0x1] =	vst.idx.msk $0xffff, v18  }
0x154: {  	[tilespmem:v2+s24+$0x40 ss:$0x1] =	vst.idx.msk $0xffff, v10;
	v10 =	vadd.f32 v17, v6;
	v17 =	vld.idx.msk [tilespmem:v2+s26+$0x40 ss:$0x1], $0xffff  }
0x155: {  	v18 =	vadd.f32 v20, v9;
	[tilespmem:v0+s23+$0x0 ss:$0x1] =	vst.idx.msk $0xffff, v19;
	v19 =	vld.idx.msk [tilespmem:v3+s24+$0x40 ss:$0x1], $0xffff  }
0x156: {  	v16 =	vadd.f32 v16, v12;
	v20 =	vld.idx.msk [tilespmem:v2+s23+$0x0 ss:$0x1], $0xffff;
	[tilespmem:v0+s22+$0x40 ss:$0x1] =	vst.idx.msk $0xffff, v10  }
0x157: {  	v5 =	vadd.f32 v5, v8;
	[tilespmem:v0+s30+$0x0 ss:$0x1] =	vst.idx.msk $0xffff, v18;
	v10 =	vld.idx.msk [tilespmem:v2+s22+$0x40 ss:$0x1], $0xffff  }
0x158: {  	[tilespmem:v0+s29+$0x0 ss:$0x1] =	vst.idx.msk $0xffff, v16  }
0x159: {  	v15 =	vadd.f32 v15, v14;
	v16 =	vld.idx.msk [tilespmem:v2+s29+$0x0 ss:$0x1], $0xffff;
	[tilespmem:v2+s25+$0x40 ss:$0x1] =	vst.idx.msk $0xffff, v5  }
0x15a: {  	v17 =	vadd.f32 v17, v13;
	v5 =	vld.idx.msk [tilespmem:v3+s25+$0x40 ss:$0x1], $0xffff  }
0x15b: {  	v7 =	vadd.f32 v19, v7;
	[tilespmem:v0+s31+$0x0 ss:$0x1] =	vst.idx.msk $0xffff, v15;
	v15 =	vld.idx.msk [tilespmem:v2+s30+$0x0 ss:$0x1], $0xffff  }
0x15c: {  	v18 =	vadd.f32 v20, v11;
	[tilespmem:v2+s26+$0x40 ss:$0x1] =	vst.idx.msk $0xffff, v17  }
0x15d: {  	v17 =	vld.idx.msk [tilespmem:v2+s31+$0x0 ss:$0x1], $0xffff;
	[tilespmem:v3+s24+$0x40 ss:$0x1] =	vst.idx.msk $0xffff, v7;
	v7 =	vadd.f32 v10, v6  }
0x15e: {  	[tilespmem:v2+s23+$0x0 ss:$0x1] =	vst.idx.msk $0xffff, v18;
	v10 =	vld.idx.msk [tilespmem:v3+s26+$0x40 ss:$0x1], $0xffff  }
0x15f: {  	v16 =	vadd.f32 v16, v12;
	v18 =	vld.idx.msk [tilespmem:v4+s24+$0x50 ss:$0x1], $0xffff;
	[tilespmem:v2+s22+$0x40 ss:$0x1] =	vst.idx.msk $0xffff, v7  }
0x160: {  	v5 =	vadd.f32 v5, v8;
	v19 =	vld.idx.msk [tilespmem:v1+s24+$0x50 ss:$0x1], $0xffff  }
0x161: {  	v7 =	vadd.f32 v15, v9;
	v8 =	vld.idx.msk [tilespmem:v3+s23+$0x0 ss:$0x1], $0xffff  }
0x162: {  	[tilespmem:v2+s29+$0x0 ss:$0x1] =	vst.idx.msk $0xffff, v16;
	v15 =	vld.idx.msk [tilespmem:v3+s22+$0x40 ss:$0x1], $0xffff  }
0x163: {  	v16 =	vadd.f32 v17, v14;
	[tilespmem:v2+s30+$0x0 ss:$0x1] =	vst.idx.msk $0xffff, v7;
	v17 =	vld.idx.msk [tilespmem:v3+s29+$0x0 ss:$0x1], $0xffff  }
0x164: {  	v20 =	vld.idx.msk [tilespmem:v3+s30+$0x0 ss:$0x1], $0xffff;
	[tilespmem:v3+s25+$0x40 ss:$0x1] =	vst.idx.msk $0xffff, v5;
	v5 =	vadd.f32 v10, v13  }
0x165: {  	[tilespmem:v2+s31+$0x0 ss:$0x1] =	vst.idx.msk $0xffff, v16;
	v7 =	vld.idx.msk [tilespmem:v4+s25+$0x50 ss:$0x1], $0xffff  }
0x166: {  	v10 =	vadd.f32 v19, v18;
	v13 =	vld.idx.msk [tilespmem:v3+s31+$0x0 ss:$0x1], $0xffff;
	[tilespmem:v3+s26+$0x40 ss:$0x1] =	vst.idx.msk $0xffff, v5  }
0x167: {  	v5 =	vadd.f32 v8, v11;
	v11 =	vld.idx.msk [tilespmem:v1+s26+$0x50 ss:$0x1], $0xffff  }
0x168: {  	v6 =	vadd.f32 v15, v6;
	[tilespmem:v1+s24+$0x50 ss:$0x1] =	vst.idx.msk $0xffff, v10;
	v15 =	vld.idx.msk [tilespmem:v4+s26+$0x50 ss:$0x1], $0xffff  }
0x169: {  	[tilespmem:v3+s23+$0x0 ss:$0x1] =	vst.idx.msk $0xffff, v5;
	v5 =	vadd.f32 v17, v12;
	v12 =	vld.idx.msk [tilespmem:v1+s25+$0x50 ss:$0x1], $0xffff  }
0x16a: {  	v8 =	vadd.f32 v20, v9;
	v10 =	vld.idx.msk [tilespmem:v4+s23+$0x10 ss:$0x1], $0xffff;
	[tilespmem:v3+s22+$0x40 ss:$0x1] =	vst.idx.msk $0xffff, v6  }
0x16b: {  	[tilespmem:v3+s29+$0x0 ss:$0x1] =	vst.idx.msk $0xffff, v5;
	v5 =	vld.idx.msk [tilespmem:v0+s24+$0x50 ss:$0x1], $0xffff  }
0x16c: {  	v6 =	vadd.f32 v13, v14;
	v9 =	vld.idx.msk [tilespmem:v1+s23+$0x10 ss:$0x1], $0xffff;
	[tilespmem:v3+s30+$0x0 ss:$0x1] =	vst.idx.msk $0xffff, v8  }
0x16d: {  	v8 =	vld.idx.msk [tilespmem:v4+s30+$0x10 ss:$0x1], $0xffff  }
0x16e: {  	[tilespmem:v3+s31+$0x0 ss:$0x1] =	vst.idx.msk $0xffff, v6;
	v13 =	vld.idx.msk [tilespmem:v1+s29+$0x10 ss:$0x1], $0xffff;
	v6 =	vadd.f32 v11, v15  }
0x16f: {  	v12 =	vadd.f32 v12, v7;
	v11 =	vld.idx.msk [tilespmem:v4+s31+$0x10 ss:$0x1], $0xffff  }
0x170: {  	v14 =	vld.idx.msk [tilespmem:v1+s31+$0x10 ss:$0x1], $0xffff;
	[tilespmem:v1+s26+$0x50 ss:$0x1] =	vst.idx.msk $0xffff, v6  }
0x171: {  	v5 =	vadd.f32 v5, v18;
	v16 =	vld.idx.msk [tilespmem:v1+s30+$0x10 ss:$0x1], $0xffff;
	[tilespmem:v1+s25+$0x50 ss:$0x1] =	vst.idx.msk $0xffff, v12  }
0x172: {  	v9 =	vadd.f32 v9, v10;
	v12 =	vld.idx.msk [tilespmem:v0+s26+$0x50 ss:$0x1], $0xffff  }
0x173: {  	v6 =	vld.idx.msk [tilespmem:v4+s29+$0x10 ss:$0x1], $0xffff;
	[tilespmem:v0+s24+$0x50 ss:$0x1] =	vst.idx.msk $0xffff, v5  }
0x174: {  	v17 =	vld.idx.msk [tilespmem:v0+s25+$0x50 ss:$0x1], $0xffff  }
0x175: {  	[tilespmem:v1+s23+$0x10 ss:$0x1] =	vst.idx.msk $0xffff, v9;
	v9 =	vld.idx.msk [tilespmem:v2+s24+$0x50 ss:$0x1], $0xffff  }
0x176: {  	v14 =	vadd.f32 v14, v11;
	v19 =	vld.idx.msk [tilespmem:v0+s23+$0x10 ss:$0x1], $0xffff  }
0x177: {  	v16 =	vadd.f32 v16, v8;
	v5 =	vld.idx.msk [tilespmem:v4+s22+$0x50 ss:$0x1], $0xffff  }
0x178: {  	v12 =	vadd.f32 v12, v15;
	[tilespmem:v1+s31+$0x10 ss:$0x1] =	vst.idx.msk $0xffff, v14;
	v14 =	vld.idx.msk [tilespmem:v1+s22+$0x50 ss:$0x1], $0xffff  }
0x179: {  	v13 =	vadd.f32 v13, v6;
	v20 =	vld.idx.msk [tilespmem:v0+s31+$0x10 ss:$0x1], $0xffff;
	[tilespmem:v1+s30+$0x10 ss:$0x1] =	vst.idx.msk $0xffff, v16  }
0x17a: {  	v17 =	vadd.f32 v17, v7;
	v16 =	vld.idx.msk [tilespmem:v0+s30+$0x10 ss:$0x1], $0xffff;
	[tilespmem:v0+s26+$0x50 ss:$0x1] =	vst.idx.msk $0xffff, v12  }
0x17b: {  	v9 =	vadd.f32 v9, v18;
	v12 =	vld.idx.msk [tilespmem:v2+s26+$0x50 ss:$0x1], $0xffff  }
0x17c: {  	v19 =	vadd.f32 v19, v10;
	[tilespmem:v0+s25+$0x50 ss:$0x1] =	vst.idx.msk $0xffff, v17  }
0x17d: {  	[tilespmem:v1+s29+$0x10 ss:$0x1] =	vst.idx.msk $0xffff, v13;
	v13 =	vld.idx.msk [tilespmem:v2+s25+$0x50 ss:$0x1], $0xffff  }
0x17e: {  	v17 =	vld.idx.msk [tilespmem:v0+s29+$0x10 ss:$0x1], $0xffff;
	[tilespmem:v2+s24+$0x50 ss:$0x1] =	vst.idx.msk $0xffff, v9;
	v9 =	vadd.f32 v14, v5  }
0x17f: {  	v14 =	vadd.f32 v20, v11;
	[tilespmem:v0+s23+$0x10 ss:$0x1] =	vst.idx.msk $0xffff, v19;
	v19 =	vld.idx.msk [tilespmem:v3+s24+$0x50 ss:$0x1], $0xffff  }
0x180: {  	v16 =	vadd.f32 v16, v8;
	v20 =	vld.idx.msk [tilespmem:v2+s23+$0x10 ss:$0x1], $0xffff;
	[tilespmem:v1+s22+$0x50 ss:$0x1] =	vst.idx.msk $0xffff, v9  }
0x181: {  	v12 =	vadd.f32 v12, v15;
	[tilespmem:v0+s31+$0x10 ss:$0x1] =	vst.idx.msk $0xffff, v14;
	v9 =	vld.idx.msk [tilespmem:v0+s22+$0x50 ss:$0x1], $0xffff  }
0x182: {  	v14 =	vld.idx.msk [tilespmem:v2+s31+$0x10 ss:$0x1], $0xffff;
	[tilespmem:v0+s30+$0x10 ss:$0x1] =	vst.idx.msk $0xffff, v16  }
0x183: {  	v13 =	vadd.f32 v13, v7;
	[tilespmem:v2+s26+$0x50 ss:$0x1] =	vst.idx.msk $0xffff, v12  }
0x184: {  	v16 =	vadd.f32 v17, v6;
	v12 =	vld.idx.msk [tilespmem:v2+s30+$0x10 ss:$0x1], $0xffff  }
0x185: {  	v17 =	vadd.f32 v19, v18;
	[tilespmem:v2+s25+$0x50 ss:$0x1] =	vst.idx.msk $0xffff, v13;
	v13 =	vld.idx.msk [tilespmem:v3+s26+$0x50 ss:$0x1], $0xffff  }
0x186: {  	v18 =	vadd.f32 v20, v10;
	[tilespmem:v0+s29+$0x10 ss:$0x1] =	vst.idx.msk $0xffff, v16;
	v16 =	vld.idx.msk [tilespmem:v3+s25+$0x50 ss:$0x1], $0xffff  }
0x187: {  	v9 =	vadd.f32 v9, v5;
	v19 =	vld.idx.msk [tilespmem:v2+s29+$0x10 ss:$0x1], $0xffff;
	[tilespmem:v3+s24+$0x50 ss:$0x1] =	vst.idx.msk $0xffff, v17  }
0x188: {  	v14 =	vadd.f32 v14, v11;
	v17 =	vld.idx.msk [tilespmem:v4+s24+$0x60 ss:$0x1], $0xffff  }
0x189: {  	[tilespmem:v2+s23+$0x10 ss:$0x1] =	vst.idx.msk $0xffff, v18;
	v18 =	vld.idx.msk [tilespmem:v1+s24+$0x60 ss:$0x1], $0xffff  }
0x18a: {  	v12 =	vadd.f32 v12, v8;
	[tilespmem:v2+s31+$0x10 ss:$0x1] =	vst.idx.msk $0xffff, v14;
	v14 =	vld.idx.msk [tilespmem:v3+s23+$0x10 ss:$0x1], $0xffff  }
0x18b: {  	v20 =	vld.idx.msk [tilespmem:v3+s31+$0x10 ss:$0x1], $0xffff;
	[tilespmem:v0+s22+$0x50 ss:$0x1] =	vst.idx.msk $0xffff, v9;
	v9 =	vadd.f32 v13, v15  }
0x18c: {  	v7 =	vadd.f32 v16, v7;
	[tilespmem:v2+s30+$0x10 ss:$0x1] =	vst.idx.msk $0xffff, v12;
	v12 =	vld.idx.msk [tilespmem:v2+s22+$0x50 ss:$0x1], $0xffff  }
0x18d: {  	v13 =	vld.idx.msk [tilespmem:v3+s30+$0x10 ss:$0x1], $0xffff;
	[tilespmem:v3+s26+$0x50 ss:$0x1] =	vst.idx.msk $0xffff, v9  }
0x18e: {  	[tilespmem:v3+s25+$0x50 ss:$0x1] =	vst.idx.msk $0xffff, v7;
	v9 =	vld.idx.msk [tilespmem:v4+s26+$0x60 ss:$0x1], $0xffff  }
0x18f: {  	v7 =	vadd.f32 v19, v6;
	v15 =	vadd.f32 v18, v17;
	v16 =	vld.idx.msk [tilespmem:v1+s26+$0x60 ss:$0x1], $0xffff  }
0x190: {  	v10 =	vadd.f32 v14, v10;
	v14 =	vld.idx.msk [tilespmem:v4+s25+$0x60 ss:$0x1], $0xffff  }
0x191: {  	v11 =	vadd.f32 v20, v11;
	[tilespmem:v1+s24+$0x60 ss:$0x1] =	vst.idx.msk $0xffff, v15;
	v15 =	vld.idx.msk [tilespmem:v1+s25+$0x60 ss:$0x1], $0xffff  }
0x192: {  	v12 =	vadd.f32 v12, v5;
	[tilespmem:v3+s23+$0x10 ss:$0x1] =	vst.idx.msk $0xffff, v10;
	v18 =	vld.idx.msk [tilespmem:v0+s24+$0x60 ss:$0x1], $0xffff  }
0x193: {  	v8 =	vadd.f32 v13, v8;
	[tilespmem:v3+s31+$0x10 ss:$0x1] =	vst.idx.msk $0xffff, v11;
	v10 =	vld.idx.msk [tilespmem:v4+s23+$0x20 ss:$0x1], $0xffff  }
0x194: {  	v11 =	vld.idx.msk [tilespmem:v4+s31+$0x20 ss:$0x1], $0xffff;
	[tilespmem:v2+s22+$0x50 ss:$0x1] =	vst.idx.msk $0xffff, v12  }
0x195: {  	v12 =	vld.idx.msk [tilespmem:v1+s23+$0x20 ss:$0x1], $0xffff;
	[tilespmem:v2+s29+$0x10 ss:$0x1] =	vst.idx.msk $0xffff, v7;
	v7 =	vadd.f32 v16, v9  }
0x196: {  	v13 =	vld.idx.msk [tilespmem:v1+s31+$0x20 ss:$0x1], $0xffff;
	[tilespmem:v3+s30+$0x10 ss:$0x1] =	vst.idx.msk $0xffff, v8  }
0x197: {  	v15 =	vadd.f32 v15, v14;
	v8 =	vld.idx.msk [tilespmem:v4+s30+$0x20 ss:$0x1], $0xffff;
	[tilespmem:v1+s26+$0x60 ss:$0x1] =	vst.idx.msk $0xffff, v7  }
0x198: {  	v16 =	vadd.f32 v18, v17;
	v7 =	vld.idx.msk [tilespmem:v1+s30+$0x20 ss:$0x1], $0xffff  }
0x199: {  	v18 =	vld.idx.msk [tilespmem:v3+s29+$0x10 ss:$0x1], $0xffff;
	[tilespmem:v1+s25+$0x60 ss:$0x1] =	vst.idx.msk $0xffff, v15  }
0x19a: {  	[tilespmem:v0+s24+$0x60 ss:$0x1] =	vst.idx.msk $0xffff, v16;
	v15 =	vld.idx.msk [tilespmem:v0+s26+$0x60 ss:$0x1], $0xffff  }
0x19b: {  	v12 =	vadd.f32 v12, v10;
	v16 =	vld.idx.msk [tilespmem:v0+s25+$0x60 ss:$0x1], $0xffff  }
0x19c: {  	v13 =	vadd.f32 v13, v11;
	v19 =	vld.idx.msk [tilespmem:v2+s24+$0x60 ss:$0x1], $0xffff  }
0x19d: {  	[tilespmem:v1+s23+$0x20 ss:$0x1] =	vst.idx.msk $0xffff, v12;
	v12 =	vld.idx.msk [tilespmem:v3+s22+$0x50 ss:$0x1], $0xffff  }
0x19e: {  	v7 =	vadd.f32 v7, v8;
	[tilespmem:v1+s31+$0x20 ss:$0x1] =	vst.idx.msk $0xffff, v13;
	v13 =	vld.idx.msk [tilespmem:v0+s23+$0x20 ss:$0x1], $0xffff  }
0x19f: {  	v6 =	vadd.f32 v18, v6;
	v20 =	vld.idx.msk [tilespmem:v0+s31+$0x20 ss:$0x1], $0xffff  }
0x1a0: {  	[tilespmem:v1+s30+$0x20 ss:$0x1] =	vst.idx.msk $0xffff, v7;
	v7 =	vadd.f32 v15, v9  }
0x1a1: {  	v15 =	vld.idx.msk [tilespmem:v0+s30+$0x20 ss:$0x1], $0xffff;
	[tilespmem:v3+s29+$0x10 ss:$0x1] =	vst.idx.msk $0xffff, v6;
	v6 =	vadd.f32 v16, v14  }
0x1a2: {  	v18 =	vadd.f32 v19, v17;
	v16 =	vld.idx.msk [tilespmem:v4+s29+$0x20 ss:$0x1], $0xffff;
	[tilespmem:v0+s26+$0x60 ss:$0x1] =	vst.idx.msk $0xffff, v7  }
0x1a3: {  	v5 =	vadd.f32 v12, v5;
	v7 =	vld.idx.msk [tilespmem:v1+s29+$0x20 ss:$0x1], $0xffff;
	[tilespmem:v0+s25+$0x60 ss:$0x1] =	vst.idx.msk $0xffff, v6  }
0x1a4: {  	v6 =	vadd.f32 v13, v10;
	[tilespmem:v2+s24+$0x60 ss:$0x1] =	vst.idx.msk $0xffff, v18;
	v12 =	vld.idx.msk [tilespmem:v2+s26+$0x60 ss:$0x1], $0xffff  }
0x1a5: {  	v13 =	vadd.f32 v20, v11;
	[tilespmem:v3+s22+$0x50 ss:$0x1] =	vst.idx.msk $0xffff, v5;
	v5 =	vld.idx.msk [tilespmem:v2+s25+$0x60 ss:$0x1], $0xffff  }
0x1a6: {  	[tilespmem:v0+s23+$0x20 ss:$0x1] =	vst.idx.msk $0xffff, v6;
	v6 =	vld.idx.msk [tilespmem:v3+s24+$0x60 ss:$0x1], $0xffff  }
0x1a7: {  	v15 =	vadd.f32 v15, v8;
	[tilespmem:v0+s31+$0x20 ss:$0x1] =	vst.idx.msk $0xffff, v13;
	v13 =	vld.idx.msk [tilespmem:v2+s23+$0x20 ss:$0x1], $0xffff  }
0x1a8: {  	v18 =	vld.idx.msk [tilespmem:v2+s31+$0x20 ss:$0x1], $0xffff  }
0x1a9: {  	v7 =	vadd.f32 v7, v16;
	v19 =	vld.idx.msk [tilespmem:v4+s22+$0x60 ss:$0x1], $0xffff  }
0x1aa: {  	v12 =	vadd.f32 v12, v9;
	[tilespmem:v0+s30+$0x20 ss:$0x1] =	vst.idx.msk $0xffff, v15;
	v15 =	vld.idx.msk [tilespmem:v1+s22+$0x60 ss:$0x1], $0xffff  }
0x1ab: {  	v5 =	vadd.f32 v5, v14;
	v20 =	vld.idx.msk [tilespmem:v2+s30+$0x20 ss:$0x1], $0xffff;
	[tilespmem:v1+s29+$0x20 ss:$0x1] =	vst.idx.msk $0xffff, v7  }
0x1ac: {  	v6 =	vadd.f32 v6, v17;
	v21 =	vld.idx.msk [tilespmem:v0+s29+$0x20 ss:$0x1], $0xffff;
	[tilespmem:v2+s26+$0x60 ss:$0x1] =	vst.idx.msk $0xffff, v12  }
0x1ad: {  	v7 =	vadd.f32 v13, v10;
	[tilespmem:v2+s25+$0x60 ss:$0x1] =	vst.idx.msk $0xffff, v5;
	v5 =	vld.idx.msk [tilespmem:v3+s26+$0x60 ss:$0x1], $0xffff  }
0x1ae: {  	v12 =	vadd.f32 v18, v11;
	[tilespmem:v3+s24+$0x60 ss:$0x1] =	vst.idx.msk $0xffff, v6;
	v6 =	vld.idx.msk [tilespmem:v3+s25+$0x60 ss:$0x1], $0xffff  }
0x1af: {  	[tilespmem:v2+s23+$0x20 ss:$0x1] =	vst.idx.msk $0xffff, v7;
	v7 =	vld.idx.msk [tilespmem:v4+s24+$0x70 ss:$0x1], $0xffff  }
0x1b0: {  	v13 =	vadd.f32 v15, v19;
	[tilespmem:v2+s31+$0x20 ss:$0x1] =	vst.idx.msk $0xffff, v12;
	v12 =	vld.idx.msk [tilespmem:v1+s24+$0x70 ss:$0x1], $0xffff  }
0x1b1: {  	v17 =	vadd.f32 v20, v8;
	v15 =	vld.idx.msk [tilespmem:v3+s31+$0x20 ss:$0x1], $0xffff  }
0x1b2: {  	v20 =	vadd.f32 v21, v16;
	v18 =	vld.idx.msk [tilespmem:v3+s23+$0x20 ss:$0x1], $0xffff;
	[tilespmem:v1+s22+$0x60 ss:$0x1] =	vst.idx.msk $0xffff, v13  }
0x1b3: {  	v5 =	vadd.f32 v5, v9;
	[tilespmem:v2+s30+$0x20 ss:$0x1] =	vst.idx.msk $0xffff, v17;
	v13 =	vld.idx.msk [tilespmem:v0+s22+$0x60 ss:$0x1], $0xffff  }
0x1b4: {  	v6 =	vadd.f32 v6, v14;
	v9 =	vld.idx.msk [tilespmem:v3+s30+$0x20 ss:$0x1], $0xffff;
	[tilespmem:v0+s29+$0x20 ss:$0x1] =	vst.idx.msk $0xffff, v20  }
0x1b5: {  	v14 =	vld.idx.msk [tilespmem:v2+s29+$0x20 ss:$0x1], $0xffff;
	[tilespmem:v3+s26+$0x60 ss:$0x1] =	vst.idx.msk $0xffff, v5  }
0x1b6: {  	v5 =	vadd.f32 v12, v7;
	[tilespmem:v3+s25+$0x60 ss:$0x1] =	vst.idx.msk $0xffff, v6;
	v6 =	vld.idx.msk [tilespmem:v4+s26+$0x70 ss:$0x1], $0xffff  }
0x1b7: {  	v11 =	vadd.f32 v15, v11;
	v12 =	vld.idx.msk [tilespmem:v1+s25+$0x70 ss:$0x1], $0xffff  }
0x1b8: {  	v10 =	vadd.f32 v18, v10;
	[tilespmem:v1+s24+$0x70 ss:$0x1] =	vst.idx.msk $0xffff, v5;
	v15 =	vld.idx.msk [tilespmem:v4+s25+$0x70 ss:$0x1], $0xffff  }
0x1b9: {  	[tilespmem:v3+s31+$0x20 ss:$0x1] =	vst.idx.msk $0xffff, v11;
	v5 =	vld.idx.msk [tilespmem:v0+s24+$0x70 ss:$0x1], $0xffff;
	v11 =	vadd.f32 v13, v19  }
0x1ba: {  	v8 =	vadd.f32 v9, v8;
	v13 =	vld.idx.msk [tilespmem:v4+s31+$0x30 ss:$0x1], $0xffff;
	[tilespmem:v3+s23+$0x20 ss:$0x1] =	vst.idx.msk $0xffff, v10  }
0x1bb: {  	v10 =	vadd.f32 v14, v16;
	v9 =	vld.idx.msk [tilespmem:v1+s31+$0x30 ss:$0x1], $0xffff;
	[tilespmem:v0+s22+$0x60 ss:$0x1] =	vst.idx.msk $0xffff, v11  }
0x1bc: {  	[tilespmem:v3+s30+$0x20 ss:$0x1] =	vst.idx.msk $0xffff, v8;
	v11 =	vld.idx.msk [tilespmem:v2+s22+$0x60 ss:$0x1], $0xffff  }
0x1bd: {  	v8 =	vld.idx.msk [tilespmem:v4+s30+$0x30 ss:$0x1], $0xffff;
	[tilespmem:v2+s29+$0x20 ss:$0x1] =	vst.idx.msk $0xffff, v10  }
0x1be: {  	v10 =	vld.idx.msk [tilespmem:v3+s29+$0x20 ss:$0x1], $0xffff  }
0x1bf: {  	v12 =	vadd.f32 v12, v15;
	v14 =	vld.idx.msk [tilespmem:v1+s30+$0x30 ss:$0x1], $0xffff  }
0x1c0: {  	v17 =	vld.idx.msk [tilespmem:v1+s26+$0x70 ss:$0x1], $0xffff  }
0x1c1: {  	v9 =	vadd.f32 v9, v13;
	v18 =	vld.idx.msk [tilespmem:v4+s23+$0x30 ss:$0x1], $0xffff;
	[tilespmem:v1+s25+$0x70 ss:$0x1] =	vst.idx.msk $0xffff, v12  }
0x1c2: {  	v5 =	vadd.f32 v5, v7;
	v11 =	vadd.f32 v11, v19;
	v12 =	vld.idx.msk [tilespmem:v0+s25+$0x70 ss:$0x1], $0xffff  }
0x1c3: {  	[tilespmem:v1+s31+$0x30 ss:$0x1] =	vst.idx.msk $0xffff, v9;
	v9 =	vld.idx.msk [tilespmem:v1+s23+$0x30 ss:$0x1], $0xffff  }
0x1c4: {  	v10 =	vadd.f32 v10, v16;
	v20 =	vld.idx.msk [tilespmem:v0+s31+$0x30 ss:$0x1], $0xffff;
	[tilespmem:v0+s24+$0x70 ss:$0x1] =	vst.idx.msk $0xffff, v5  }
0x1c5: {  	v5 =	vadd.f32 v14, v8;
	v14 =	vld.idx.msk [tilespmem:v2+s24+$0x70 ss:$0x1], $0xffff;
	[tilespmem:v2+s22+$0x60 ss:$0x1] =	vst.idx.msk $0xffff, v11  }
0x1c6: {  	v11 =	vadd.f32 v17, v6;
	[tilespmem:v3+s29+$0x20 ss:$0x1] =	vst.idx.msk $0xffff, v10;
	v10 =	vld.idx.msk [tilespmem:v3+s22+$0x60 ss:$0x1], $0xffff  }
0x1c7: {  	v16 =	vld.idx.msk [tilespmem:v4+s29+$0x30 ss:$0x1], $0xffff  }
0x1c8: {  	v12 =	vadd.f32 v12, v15;
	v17 =	vld.idx.msk [tilespmem:v1+s29+$0x30 ss:$0x1], $0xffff;
	[tilespmem:v1+s26+$0x70 ss:$0x1] =	vst.idx.msk $0xffff, v11  }
0x1c9: {  	v9 =	vadd.f32 v9, v18;
	[tilespmem:v1+s30+$0x30 ss:$0x1] =	vst.idx.msk $0xffff, v5;
	v11 =	vld.idx.msk [tilespmem:v0+s26+$0x70 ss:$0x1], $0xffff  }
0x1ca: {  	v5 =	vadd.f32 v20, v13;
	v20 =	vld.idx.msk [tilespmem:v0+s30+$0x30 ss:$0x1], $0xffff;
	[tilespmem:v0+s25+$0x70 ss:$0x1] =	vst.idx.msk $0xffff, v12  }
0x1cb: {  	[tilespmem:v1+s23+$0x30 ss:$0x1] =	vst.idx.msk $0xffff, v9;
	v9 =	vadd.f32 v14, v7;
	v12 =	vld.idx.msk [tilespmem:v2+s25+$0x70 ss:$0x1], $0xffff  }
0x1cc: {  	[tilespmem:v0+s31+$0x30 ss:$0x1] =	vst.idx.msk $0xffff, v5;
	v14 =	vld.idx.msk [tilespmem:v0+s23+$0x30 ss:$0x1], $0xffff;
	v5 =	vadd.f32 v10, v19  }
0x1cd: {  	v10 =	vld.idx.msk [tilespmem:v2+s31+$0x30 ss:$0x1], $0xffff;
	[tilespmem:v2+s24+$0x70 ss:$0x1] =	vst.idx.msk $0xffff, v9  }
0x1ce: {  	v9 =	vadd.f32 v17, v16;
	v17 =	vld.idx.msk [tilespmem:v3+s24+$0x70 ss:$0x1], $0xffff;
	[tilespmem:v3+s22+$0x60 ss:$0x1] =	vst.idx.msk $0xffff, v5  }
0x1cf: {  	v11 =	vadd.f32 v11, v6;
	v5 =	vld.idx.msk [tilespmem:v4+s22+$0x70 ss:$0x1], $0xffff  }
0x1d0: {  	v19 =	vadd.f32 v20, v8;
	[tilespmem:v1+s29+$0x30 ss:$0x1] =	vst.idx.msk $0xffff, v9;
	v9 =	vld.idx.msk [tilespmem:v1+s22+$0x70 ss:$0x1], $0xffff  }
0x1d1: {  	v12 =	vadd.f32 v12, v15;
	v20 =	vld.idx.msk [tilespmem:v0+s29+$0x30 ss:$0x1], $0xffff;
	[tilespmem:v0+s26+$0x70 ss:$0x1] =	vst.idx.msk $0xffff, v11  }
0x1d2: {  	v11 =	vadd.f32 v14, v18;
	[tilespmem:v0+s30+$0x30 ss:$0x1] =	vst.idx.msk $0xffff, v19;
	v14 =	vld.idx.msk [tilespmem:v2+s26+$0x70 ss:$0x1], $0xffff  }
0x1d3: {  	v10 =	vadd.f32 v10, v13;
	v19 =	vld.idx.msk [tilespmem:v2+s30+$0x30 ss:$0x1], $0xffff;
	[tilespmem:v2+s25+$0x70 ss:$0x1] =	vst.idx.msk $0xffff, v12  }
0x1d4: {  	v7 =	vadd.f32 v17, v7;
	[tilespmem:v0+s23+$0x30 ss:$0x1] =	vst.idx.msk $0xffff, v11;
	v11 =	vld.idx.msk [tilespmem:v3+s25+$0x70 ss:$0x1], $0xffff  }
0x1d5: {  	[tilespmem:v2+s31+$0x30 ss:$0x1] =	vst.idx.msk $0xffff, v10;
	v10 =	vld.idx.msk [tilespmem:v2+s23+$0x30 ss:$0x1], $0xffff  }
0x1d6: {  	v12 =	vld.idx.msk [tilespmem:v3+s31+$0x30 ss:$0x1], $0xffff;
	[tilespmem:v3+s24+$0x70 ss:$0x1] =	vst.idx.msk $0xffff, v7;
	v7 =	vadd.f32 v9, v5;
	s24 =	smov.u32 s31  }
0x1d7: {  	v9 =	vadd.f32 v20, v16  }
0x1d8: {  	[tilespmem:v1+s22+$0x70 ss:$0x1] =	vst.idx.msk $0xffff, v7;
	v7 =	vadd.f32 v14, v6  }
0x1d9: {  	v14 =	vadd.f32 v19, v8;
	[tilespmem:v0+s29+$0x30 ss:$0x1] =	vst.idx.msk $0xffff, v9;
	v9 =	vld.idx.msk [tilespmem:v0+s22+$0x70 ss:$0x1], $0xffff  }
0x1da: {  	v11 =	vadd.f32 v11, v15;
	v17 =	vld.idx.msk [tilespmem:v2+s29+$0x30 ss:$0x1], $0xffff;
	[tilespmem:v2+s26+$0x70 ss:$0x1] =	vst.idx.msk $0xffff, v7  }
0x1db: {  	v7 =	vadd.f32 v10, v18;
	[tilespmem:v2+s30+$0x30 ss:$0x1] =	vst.idx.msk $0xffff, v14;
	v10 =	vld.idx.msk [tilespmem:v3+s26+$0x70 ss:$0x1], $0xffff  }
0x1dc: {  	v12 =	vadd.f32 v12, v13;
	v13 =	vld.idx.msk [tilespmem:v3+s30+$0x30 ss:$0x1], $0xffff;
	[tilespmem:v3+s25+$0x70 ss:$0x1] =	vst.idx.msk $0xffff, v11;
	s25 =	smov.u32 s30  }
0x1dd: {  	[tilespmem:v2+s23+$0x30 ss:$0x1] =	vst.idx.msk $0xffff, v7  }
0x1de: {  	[tilespmem:v3+s24+$0x30 ss:$0x1] =	vst.idx.msk $0xffff, v12;
	v11 =	vld.idx.msk [tilespmem:v3+s23+$0x30 ss:$0x1], $0xffff  }
0x1df: {  	v9 =	vadd.f32 v9, v5;
	v7 =	vld.idx.msk [tilespmem:v4+s24+$0x40 ss:$0x1], $0xffff  }
0x1e0: {  	v14 =	vadd.f32 v17, v16;
	v12 =	vld.idx.msk [tilespmem:v1+s24+$0x40 ss:$0x1], $0xffff  }
0x1e1: {  	v6 =	vadd.f32 v10, v6;
	[tilespmem:v0+s22+$0x70 ss:$0x1] =	vst.idx.msk $0xffff, v9  }
0x1e2: {  	v8 =	vadd.f32 v13, v8;
	[tilespmem:v2+s29+$0x30 ss:$0x1] =	vst.idx.msk $0xffff, v14;
	v9 =	vld.idx.msk [tilespmem:v2+s22+$0x70 ss:$0x1], $0xffff  }
0x1e3: {  	v13 =	vld.idx.msk [tilespmem:v3+s29+$0x30 ss:$0x1], $0xffff;
	[tilespmem:v3+s26+$0x70 ss:$0x1] =	vst.idx.msk $0xffff, v6;
	s26 =	smov.u32 s29  }
0x1e4: {  	v6 =	vadd.f32 v11, v18;
	[tilespmem:v3+s25+$0x30 ss:$0x1] =	vst.idx.msk $0xffff, v8  }
0x1e5: {  	v8 =	vld.idx.msk [tilespmem:v4+s25+$0x40 ss:$0x1], $0xffff  }
.Ltmp0:
0x1e6: {  	v10 =	vadd.f32 v12, v7;
	[tilespmem:v3+s23+$0x30 ss:$0x1] =	vst.idx.msk $0xffff, v6;
	v11 =	vld.idx.msk [tilespmem:v1+s25+$0x40 ss:$0x1], $0xffff;
	(pc) =	sbr.rel @p0 .LBB2_3-.Ltmp0, $4  }
0x1e7: {  	v6 =	vld.idx.msk [tilespmem:v4+s23+$0x40 ss:$0x1], $0xffff  }
0x1e8: {  	v14 =	vadd.f32 v9, v5;
	[tilespmem:v1+s24+$0x40 ss:$0x1] =	vst.idx.msk $0xffff, v10;
	v10 =	vld.idx.msk [tilespmem:v1+s23+$0x40 ss:$0x1], $0xffff  }
0x1e9: {  	v12 =	vadd.f32 v13, v16;
	v9 =	vld.idx.msk [tilespmem:v0+s24+$0x40 ss:$0x1], $0xffff  }
0x1ea: {  	[tilespmem:v2+s22+$0x70 ss:$0x1] =	vst.idx.msk $0xffff, v14  }
0x1eb: {  	_ =	sdelay $0x3  }
0x1ec: {  	[tilespmem:v3+s26+$0x30 ss:$0x1] =	vst.idx.msk $0xffff, v12  }
0x1ed: {  	v12 =	vld.idx.msk [tilespmem:v4+s26+$0x40 ss:$0x1], $0xffff  }
0x1ee: {  	v11 =	vadd.f32 v11, v8;
	v13 =	vld.idx.msk [tilespmem:v1+s26+$0x40 ss:$0x1], $0xffff;
	_ =	sdelay $0x1  }
0x1ef: {  	[tilespmem:v1+s25+$0x40 ss:$0x1] =	vst.idx.msk $0xffff, v11;
	v10 =	vadd.f32 v10, v6  }
0x1f0: {  	v11 =	vld.idx.msk [tilespmem:v0+s25+$0x40 ss:$0x1], $0xffff  }
0x1f1: {  	[tilespmem:v1+s23+$0x40 ss:$0x1] =	vst.idx.msk $0xffff, v10  }
0x1f2: {  	v18 =	vld.idx.msk [tilespmem:v0+s23+$0x40 ss:$0x1], $0xffff;
	v13 =	vadd.f32 v13, v12  }
0x1f3: {  	v9 =	vadd.f32 v9, v7  }
0x1f4: {  	[tilespmem:v1+s26+$0x40 ss:$0x1] =	vst.idx.msk $0xffff, v13  }
0x1f5: {  	[tilespmem:v0+s24+$0x40 ss:$0x1] =	vst.idx.msk $0xffff, v9;
	v11 =	vadd.f32 v11, v8;
	v13 =	vld.idx.msk [tilespmem:v0+s26+$0x40 ss:$0x1], $0xffff  }
0x1f6: {  	v20 =	vld.idx.msk [tilespmem:v2+s24+$0x40 ss:$0x1], $0xffff  }
0x1f7: {  	[tilespmem:v0+s25+$0x40 ss:$0x1] =	vst.idx.msk $0xffff, v11;
	v9 =	vadd.f32 v18, v6  }
0x1f8: {  	v11 =	vld.idx.msk [tilespmem:v2+s25+$0x40 ss:$0x1], $0xffff  }
0x1f9: {  	[tilespmem:v0+s23+$0x40 ss:$0x1] =	vst.idx.msk $0xffff, v9  }
0x1fa: {  	v9 =	vld.idx.msk [tilespmem:v2+s23+$0x40 ss:$0x1], $0xffff;
	v19 =	vadd.f32 v13, v12  }
0x1fb: {  	v13 =	vadd.f32 v20, v7  }
0x1fc: {  	[tilespmem:v0+s26+$0x40 ss:$0x1] =	vst.idx.msk $0xffff, v19  }
0x1fd: {  	[tilespmem:v2+s24+$0x40 ss:$0x1] =	vst.idx.msk $0xffff, v13;
	v11 =	vadd.f32 v11, v8;
	v10 =	vld.idx.msk [tilespmem:v2+s26+$0x40 ss:$0x1], $0xffff  }
0x1fe: {  	v13 =	vld.idx.msk [tilespmem:v3+s24+$0x40 ss:$0x1], $0xffff  }
0x1ff: {  	[tilespmem:v2+s25+$0x40 ss:$0x1] =	vst.idx.msk $0xffff, v11;
	v9 =	vadd.f32 v9, v6  }
0x200: {  	v11 =	vld.idx.msk [tilespmem:v3+s25+$0x40 ss:$0x1], $0xffff  }
0x201: {  	[tilespmem:v2+s23+$0x40 ss:$0x1] =	vst.idx.msk $0xffff, v9  }
0x202: {  	v22 =	vld.idx.msk [tilespmem:v3+s23+$0x40 ss:$0x1], $0xffff;
	v10 =	vadd.f32 v10, v12  }
0x203: {  	v21 =	vadd.f32 v13, v7  }
0x204: {  	[tilespmem:v2+s26+$0x40 ss:$0x1] =	vst.idx.msk $0xffff, v10  }
0x205: {  	[tilespmem:v3+s24+$0x40 ss:$0x1] =	vst.idx.msk $0xffff, v21;
	v26 =	vadd.f32 v11, v8;
	v10 =	vld.idx.msk [tilespmem:v3+s26+$0x40 ss:$0x1], $0xffff  }
0x206: {  	v24 =	vld.idx.msk [tilespmem:v4+s24+$0x50 ss:$0x1], $0xffff  }
0x207: {  	v25 =	vld.idx.msk [tilespmem:v1+s24+$0x50 ss:$0x1], $0xffff;
	[tilespmem:v3+s25+$0x40 ss:$0x1] =	vst.idx.msk $0xffff, v26;
	v29 =	vadd.f32 v22, v6  }
0x208: {  	v28 =	vld.idx.msk [tilespmem:v4+s25+$0x50 ss:$0x1], $0xffff  }
0x209: {  	v30 =	vld.idx.msk [tilespmem:v1+s25+$0x50 ss:$0x1], $0xffff;
	[tilespmem:v3+s23+$0x40 ss:$0x1] =	vst.idx.msk $0xffff, v29  }
0x20a: {  	v6 =	vld.idx.msk [tilespmem:v4+s23+$0x50 ss:$0x1], $0xffff;
	v23 =	vadd.f32 v10, v12  }
0x20b: {  	v31 =	vld.idx.msk [tilespmem:v1+s23+$0x50 ss:$0x1], $0xffff  }
0x20c: {  	v12 =	vadd.f32 v25, v24;
	[tilespmem:v3+s26+$0x40 ss:$0x1] =	vst.idx.msk $0xffff, v23  }
0x20d: {  	v9 =	vld.idx.msk [tilespmem:v1+s26+$0x50 ss:$0x1], $0xffff  }
0x20e: {  	[tilespmem:v1+s24+$0x50 ss:$0x1] =	vst.idx.msk $0xffff, v12;
	v7 =	vadd.f32 v30, v28;
	v27 =	vld.idx.msk [tilespmem:v4+s26+$0x50 ss:$0x1], $0xffff  }
0x20f: {  	v32 =	vld.idx.msk [tilespmem:v0+s24+$0x50 ss:$0x1], $0xffff  }
0x210: {  	[tilespmem:v1+s25+$0x50 ss:$0x1] =	vst.idx.msk $0xffff, v7;
	v12 =	vadd.f32 v31, v6  }
0x211: {  	v7 =	vld.idx.msk [tilespmem:v0+s25+$0x50 ss:$0x1], $0xffff  }
0x212: {  	[tilespmem:v1+s23+$0x50 ss:$0x1] =	vst.idx.msk $0xffff, v12  }
0x213: {  	v12 =	vld.idx.msk [tilespmem:v0+s23+$0x50 ss:$0x1], $0xffff;
	v9 =	vadd.f32 v9, v27  }
0x214: {  	v13 =	vadd.f32 v32, v24  }
0x215: {  	[tilespmem:v1+s26+$0x50 ss:$0x1] =	vst.idx.msk $0xffff, v9  }
0x216: {  	[tilespmem:v0+s24+$0x50 ss:$0x1] =	vst.idx.msk $0xffff, v13;
	v7 =	vadd.f32 v7, v28;
	v9 =	vld.idx.msk [tilespmem:v0+s26+$0x50 ss:$0x1], $0xffff  }
0x217: {  	v13 =	vld.idx.msk [tilespmem:v2+s24+$0x50 ss:$0x1], $0xffff  }
0x218: {  	[tilespmem:v0+s25+$0x50 ss:$0x1] =	vst.idx.msk $0xffff, v7;
	v12 =	vadd.f32 v12, v6  }
0x219: {  	v7 =	vld.idx.msk [tilespmem:v2+s25+$0x50 ss:$0x1], $0xffff  }
0x21a: {  	[tilespmem:v0+s23+$0x50 ss:$0x1] =	vst.idx.msk $0xffff, v12  }
0x21b: {  	v12 =	vld.idx.msk [tilespmem:v2+s23+$0x50 ss:$0x1], $0xffff;
	v9 =	vadd.f32 v9, v27  }
0x21c: {  	v13 =	vadd.f32 v13, v24  }
0x21d: {  	[tilespmem:v0+s26+$0x50 ss:$0x1] =	vst.idx.msk $0xffff, v9  }
0x21e: {  	[tilespmem:v2+s24+$0x50 ss:$0x1] =	vst.idx.msk $0xffff, v13;
	v7 =	vadd.f32 v7, v28;
	v9 =	vld.idx.msk [tilespmem:v2+s26+$0x50 ss:$0x1], $0xffff  }
0x21f: {  	v13 =	vld.idx.msk [tilespmem:v3+s24+$0x50 ss:$0x1], $0xffff  }
0x220: {  	[tilespmem:v2+s25+$0x50 ss:$0x1] =	vst.idx.msk $0xffff, v7;
	v12 =	vadd.f32 v12, v6  }
0x221: {  	v7 =	vld.idx.msk [tilespmem:v3+s25+$0x50 ss:$0x1], $0xffff  }
0x222: {  	[tilespmem:v2+s23+$0x50 ss:$0x1] =	vst.idx.msk $0xffff, v12  }
0x223: {  	v33 =	vld.idx.msk [tilespmem:v3+s23+$0x50 ss:$0x1], $0xffff;
	v9 =	vadd.f32 v9, v27  }
0x224: {  	v10 =	vadd.f32 v13, v24  }
0x225: {  	[tilespmem:v2+s26+$0x50 ss:$0x1] =	vst.idx.msk $0xffff, v9  }
0x226: {  	[tilespmem:v3+s24+$0x50 ss:$0x1] =	vst.idx.msk $0xffff, v10;
	v7 =	vadd.f32 v7, v28;
	v9 =	vld.idx.msk [tilespmem:v3+s26+$0x50 ss:$0x1], $0xffff  }
0x227: {  	v10 =	vld.idx.msk [tilespmem:v4+s24+$0x60 ss:$0x1], $0xffff  }
0x228: {  	v34 =	vld.idx.msk [tilespmem:v1+s24+$0x60 ss:$0x1], $0xffff;
	[tilespmem:v3+s25+$0x50 ss:$0x1] =	vst.idx.msk $0xffff, v7;
	v6 =	vadd.f32 v33, v6  }
0x229: {  	v36 =	vld.idx.msk [tilespmem:v4+s25+$0x60 ss:$0x1], $0xffff  }
0x22a: {  	v37 =	vld.idx.msk [tilespmem:v1+s25+$0x60 ss:$0x1], $0xffff;
	[tilespmem:v3+s23+$0x50 ss:$0x1] =	vst.idx.msk $0xffff, v6  }
0x22b: {  	v39 =	vld.idx.msk [tilespmem:v4+s23+$0x60 ss:$0x1], $0xffff;
	v8 =	vadd.f32 v9, v27  }
0x22c: {  	v40 =	vld.idx.msk [tilespmem:v1+s23+$0x60 ss:$0x1], $0xffff  }
0x22d: {  	[tilespmem:v3+s26+$0x50 ss:$0x1] =	vst.idx.msk $0xffff, v8  }
0x22e: {  	v38 =	vadd.f32 v34, v10;
	v8 =	vld.idx.msk [tilespmem:v4+s26+$0x60 ss:$0x1], $0xffff  }
0x22f: {  	v35 =	vld.idx.msk [tilespmem:v1+s26+$0x60 ss:$0x1], $0xffff  }
0x230: {  	[tilespmem:v1+s24+$0x60 ss:$0x1] =	vst.idx.msk $0xffff, v38;
	v9 =	vadd.f32 v37, v36  }
0x231: {  	v42 =	vld.idx.msk [tilespmem:v0+s24+$0x60 ss:$0x1], $0xffff;
	v13 =	vadd.f32 v40, v39  }
0x232: {  	[tilespmem:v1+s25+$0x60 ss:$0x1] =	vst.idx.msk $0xffff, v9  }
0x233: {  	v9 =	vld.idx.msk [tilespmem:v0+s25+$0x60 ss:$0x1], $0xffff;
	[tilespmem:v1+s23+$0x60 ss:$0x1] =	vst.idx.msk $0xffff, v13  }
0x234: {  	v13 =	vld.idx.msk [tilespmem:v0+s23+$0x60 ss:$0x1], $0xffff;
	v41 =	vadd.f32 v35, v8;
	_ =	sdelay $0x1  }
0x235: {  	v7 =	vadd.f32 v42, v10;
	[tilespmem:v1+s26+$0x60 ss:$0x1] =	vst.idx.msk $0xffff, v41  }
0x236: {  	v6 =	vld.idx.msk [tilespmem:v0+s26+$0x60 ss:$0x1], $0xffff  }
0x237: {  	[tilespmem:v0+s24+$0x60 ss:$0x1] =	vst.idx.msk $0xffff, v7;
	v9 =	vadd.f32 v9, v36  }
0x238: {  	v7 =	vld.idx.msk [tilespmem:v2+s24+$0x60 ss:$0x1], $0xffff;
	v13 =	vadd.f32 v13, v39  }
0x239: {  	[tilespmem:v0+s25+$0x60 ss:$0x1] =	vst.idx.msk $0xffff, v9  }
0x23a: {  	v9 =	vld.idx.msk [tilespmem:v2+s25+$0x60 ss:$0x1], $0xffff;
	[tilespmem:v0+s23+$0x60 ss:$0x1] =	vst.idx.msk $0xffff, v13  }
0x23b: {  	v13 =	vld.idx.msk [tilespmem:v2+s23+$0x60 ss:$0x1], $0xffff;
	v6 =	vadd.f32 v6, v8;
	_ =	sdelay $0x1  }
0x23c: {  	v7 =	vadd.f32 v7, v10;
	[tilespmem:v0+s26+$0x60 ss:$0x1] =	vst.idx.msk $0xffff, v6  }
0x23d: {  	v6 =	vld.idx.msk [tilespmem:v2+s26+$0x60 ss:$0x1], $0xffff  }
0x23e: {  	[tilespmem:v2+s24+$0x60 ss:$0x1] =	vst.idx.msk $0xffff, v7;
	v9 =	vadd.f32 v9, v36  }
0x23f: {  	v7 =	vld.idx.msk [tilespmem:v3+s24+$0x60 ss:$0x1], $0xffff;
	v13 =	vadd.f32 v13, v39  }
0x240: {  	[tilespmem:v2+s25+$0x60 ss:$0x1] =	vst.idx.msk $0xffff, v9  }
0x241: {  	v9 =	vld.idx.msk [tilespmem:v3+s25+$0x60 ss:$0x1], $0xffff;
	[tilespmem:v2+s23+$0x60 ss:$0x1] =	vst.idx.msk $0xffff, v13  }
0x242: {  	v43 =	vld.idx.msk [tilespmem:v3+s23+$0x60 ss:$0x1], $0xffff;
	v6 =	vadd.f32 v6, v8;
	_ =	sdelay $0x1  }
0x243: {  	v7 =	vadd.f32 v7, v10;
	[tilespmem:v2+s26+$0x60 ss:$0x1] =	vst.idx.msk $0xffff, v6  }
0x244: {  	v6 =	vld.idx.msk [tilespmem:v3+s26+$0x60 ss:$0x1], $0xffff  }
0x245: {  	[tilespmem:v3+s24+$0x60 ss:$0x1] =	vst.idx.msk $0xffff, v7;
	v44 =	vadd.f32 v9, v36  }
0x246: {  	v7 =	vld.idx.msk [tilespmem:v4+s24+$0x70 ss:$0x1], $0xffff;
	v10 =	vadd.f32 v43, v39  }
0x247: {  	v45 =	vld.idx.msk [tilespmem:v1+s24+$0x70 ss:$0x1], $0xffff;
	[tilespmem:v3+s25+$0x60 ss:$0x1] =	vst.idx.msk $0xffff, v44  }
0x248: {  	v46 =	vld.idx.msk [tilespmem:v4+s25+$0x70 ss:$0x1], $0xffff;
	[tilespmem:v3+s23+$0x60 ss:$0x1] =	vst.idx.msk $0xffff, v10  }
0x249: {  	v48 =	vld.idx.msk [tilespmem:v4+s23+$0x70 ss:$0x1], $0xffff;
	v6 =	vadd.f32 v6, v8  }
0x24a: {  	v10 =	vld.idx.msk [tilespmem:v1+s23+$0x70 ss:$0x1], $0xffff  }
0x24b: {  	v8 =	vld.idx.msk [tilespmem:v1+s25+$0x70 ss:$0x1], $0xffff;
	[tilespmem:v3+s26+$0x60 ss:$0x1] =	vst.idx.msk $0xffff, v6  }
0x24c: {  	v6 =	vld.idx.msk [tilespmem:v4+s26+$0x70 ss:$0x1], $0xffff  }
0x24d: {  	v47 =	vld.idx.msk [tilespmem:v1+s26+$0x70 ss:$0x1], $0xffff;
	_ =	sdelay $0x1  }
0x24e: {  	v9 =	vadd.f32 v45, v7  }
0x24f: {  	v8 =	vadd.f32 v8, v46  }
0x250: {  	[tilespmem:v1+s24+$0x70 ss:$0x1] =	vst.idx.msk $0xffff, v9;
	v51 =	vadd.f32 v10, v48  }
0x251: {  	v50 =	vld.idx.msk [tilespmem:v0+s24+$0x70 ss:$0x1], $0xffff;
	[tilespmem:v1+s25+$0x70 ss:$0x1] =	vst.idx.msk $0xffff, v8;
	v49 =	vadd.f32 v47, v6  }
0x252: {  	[tilespmem:v1+s23+$0x70 ss:$0x1] =	vst.idx.msk $0xffff, v51;
	v52 =	vld.idx.msk [tilespmem:v0+s25+$0x70 ss:$0x1], $0xffff  }
0x253: {  	[tilespmem:v1+s26+$0x70 ss:$0x1] =	vst.idx.msk $0xffff, v49;
	v1 =	vld.idx.msk [tilespmem:v0+s23+$0x70 ss:$0x1], $0xffff  }
0x254: {  	v9 =	vld.idx.msk [tilespmem:v0+s26+$0x70 ss:$0x1], $0xffff;
	_ =	sdelay $0x1  }
0x255: {  	v53 =	vadd.f32 v50, v7  }
0x256: {  	v10 =	vadd.f32 v52, v46  }
0x257: {  	[tilespmem:v0+s24+$0x70 ss:$0x1] =	vst.idx.msk $0xffff, v53;
	v1 =	vadd.f32 v1, v48  }
0x258: {  	v55 =	vld.idx.msk [tilespmem:v2+s24+$0x70 ss:$0x1], $0xffff;
	[tilespmem:v0+s25+$0x70 ss:$0x1] =	vst.idx.msk $0xffff, v10;
	v54 =	vadd.f32 v9, v6  }
0x259: {  	v10 =	vld.idx.msk [tilespmem:v2+s25+$0x70 ss:$0x1], $0xffff;
	[tilespmem:v0+s23+$0x70 ss:$0x1] =	vst.idx.msk $0xffff, v1  }
0x25a: {  	[tilespmem:v0+s26+$0x70 ss:$0x1] =	vst.idx.msk $0xffff, v54;
	v0 =	vld.idx.msk [tilespmem:v2+s23+$0x70 ss:$0x1], $0xffff  }
0x25b: {  	v8 =	vld.idx.msk [tilespmem:v2+s26+$0x70 ss:$0x1], $0xffff;
	_ =	sdelay $0x1  }
0x25c: {  	v56 =	vadd.f32 v55, v7  }
0x25d: {  	v57 =	vadd.f32 v10, v46  }
0x25e: {  	v58 =	vld.idx.msk [tilespmem:v3+s22+$0x70 ss:$0x1], $0xffff;
	[tilespmem:v2+s24+$0x70 ss:$0x1] =	vst.idx.msk $0xffff, v56;
	v0 =	vadd.f32 v0, v48  }
0x25f: {  	v60 =	vld.idx.msk [tilespmem:v3+s24+$0x70 ss:$0x1], $0xffff;
	[tilespmem:v2+s25+$0x70 ss:$0x1] =	vst.idx.msk $0xffff, v57;
	v59 =	vadd.f32 v8, v6  }
0x260: {  	v9 =	vld.idx.msk [tilespmem:v3+s25+$0x70 ss:$0x1], $0xffff;
	[tilespmem:v2+s23+$0x70 ss:$0x1] =	vst.idx.msk $0xffff, v0  }
0x261: {  	[tilespmem:v2+s26+$0x70 ss:$0x1] =	vst.idx.msk $0xffff, v59;
	v0 =	vld.idx.msk [tilespmem:v3+s23+$0x70 ss:$0x1], $0xffff  }
0x262: {  	v1 =	vld.idx.msk [tilespmem:v3+s26+$0x70 ss:$0x1], $0xffff  }
0x263: {  	v61 =	vadd.f32 v58, v5  }
0x264: {  	v62 =	vadd.f32 v60, v7  }
0x265: {  	[tilespmem:v3+s22+$0x70 ss:$0x1] =	vst.idx.msk $0xffff, v61;
	v63 =	vadd.f32 v9, v46  }
0x266: {  	[tilespmem:v3+s24+$0x70 ss:$0x1] =	vst.idx.msk $0xffff, v62;
	v0 =	vadd.f32 v0, v48  }
0x267: {  	[tilespmem:v3+s25+$0x70 ss:$0x1] =	vst.idx.msk $0xffff, v63;
	v1 =	vadd.f32 v1, v6  }
0x268: {  	s0 =	sshll.u32 s20, $0xA;
	[tilespmem:v3+s23+$0x70 ss:$0x1] =	vst.idx.msk $0xffff, v0  }
0x269: {  	p0 =	seq.s32 s20, $0x0;
	s0 =	sadd.s32 s0, s10;
	[tilespmem:v3+s26+$0x70 ss:$0x1] =	vst.idx.msk $0xffff, v1  }
0x26a: {  	[hbm4b:s0+s12] =	stream.strided.scatter [tilespmem:s21], [sflag:$0x3], $0x8000, s13, s12, $0x38;
	[tilespmem:$0x1E000] =	vst v63  }
0x26b: {  	s0 =	simm.s32 @!p0 $0x3  }
0x26c: {  	p1 =	sgt.u32 @!p0 s20, $0x1D;
	_ =	swait.ge @!p0 [sflag:s0], $0x8000  }
0x26d: {  	p1 =	por p0, !p1;
	[sflag:s0] =	ssyncset.done @!p0 $0x0  }
0x26e: {  	[sflag:s0] =	ssyncadd.s32 @!p0 $0xFFFF8000;
	s0 =	sadd.s32 @p1 $0x2, s20  }
0x26f: {  	s21 =	smul.u32 @p1 $0xAB, s0;
	_ =	sdelay $0x1  }
0x270: {  	s21 =	sshrl.u32 @p1 s21, $0x9  }
0x271: {  	s21 =	sand.u32 @p1 $0x7F, s21  }
0x272: {  	s21 =	smul.u32 @p1 $0x3, s21;
	_ =	sdelay $0x1  }
0x273: {  	s20 =	sadd.s32 $0x1, s20;
	s21 =	ssub.s32 @p1 s0, s21  }
0x274: {  	p0 =	sne.s32 s20, $0x20;
	s0 =	sshll.u32 @p1 s0, $0xA;
	s21 =	sand.u32 @p1 $0xFF, s21  }
.Ltmp1:
0x275: {  	s0 =	sadd.s32 @p1 s4, s0;
	s21 =	sshll.u32 @p1 s21, $0xF;
	(pc) =	sbr.rel @p0 .LBB2_2-.Ltmp1, $4  }
0x276: {  	s23 =	sadd.s32 @p1 s5, s0;
	s22 =	sshrl.u32 @p1 s21, $0x2  }
0x277: {  	[tilespmem:s22], [sflag:$0x1] =	stream.linear.gather @p1 [hbm4b:s23+s3], $0x2000, $0x38;
	[tilespmem:$0x1E000] =	vst v63  }
0x278: {  	s0 =	sadd.s32 @p1 s1, s0;
	s21 =	sor.u32 @p1 $0x6000, s21  }
0x279: {  	[tilespmem:s21], [sflag:$0x2] =	stream.strided.gather @p1 [hbm4b:s0+s12], $0x8000, s13, s12, $0x38;
	[tilespmem:$0x1E000] =	vst v63  }
0x27a: {  	s19 =	sadd.s32 $0x1, s19  }
0x27b: {  	p0 =	sne.s32 s19, s11  }
.Ltmp2:
0x27c: {  	_ = 	snop;
	(pc) =	sbr.rel @p0 .LBB2_1-.Ltmp2, $4  }
0x27d: {  	_ = 	snop  }
0x27e: {  	_ =	swait.ge [sflag:s18], $0x8000  }
0x27f: {  	[sflag:s18] =	ssyncset.done $0x0  }
0x280: {  	[sflag:s18] =	ssyncadd.s32 $0xFFFF8000  }
0x281: {  	_ =	sfence.sel $0x180000  }
0x282: {  	[bflag:$0x0] =	sbarrier.arrive $0xFFFF  }
0x283: {  	_ =	strace $0x90000047  }
0x284: {  	[bflag:$0x2] =	sbarrier.arrive $0xFFFF  }
0x285: {  	p0 =	sne.s32 s2, $0x0;
	s0 =	rddreg [dreg:$0x2]  }
0x286: {  	s0 =	sadd.s32 @!p0 $0x100000, s0  }
0x287: {  	[sflag:s0] =	ssyncadd.tile.s32 @!p0 $0x1;
	_ =	shalt  }
.Lfunc_end2:
_tile_overlayer_lowered:
.L_overlay_start_2:
0x288: {  	(tag) =	ssettag $0x2  }
0x289: {  	s0 =	rddreg [dreg:$0x0];
	s2 =	stileid.u32  }
0x28a: {  	s1 =	rddreg [dreg:$0x1];
	p0 =	sne.s32 s2, $0x0  }
0x28b: {  	s3 =	rddreg [dreg:$0x2];
	[bflag:$0x3] =	sbarrier.arrive $0xFFFF;
	s2 =	simm.s32 @!p0 $0x1C04  }
0x28c: {  	[timem:s3], [sflag:s2] =	dma.local @!p0 [hbm:s0], s1  }
0x28d: {  	s0 =	simm.s32 @!p0 $0x4  }
0x28e: {  	_ =	swait.ge @!p0 [sflag:s0], s1  }
0x28f: {  	s1 =	ssub.s32 @!p0 $0x0, s1;
	[sflag:s0] =	ssyncset.done @!p0 $0x0  }
0x290: {  	[sflag:s0] =	ssyncadd.s32 @!p0 s1  }
0x291: {  	[bflag:$0x3] =	sbarrier.arrive $0xFFFF  }
0x292: {  	_ =	shalt  }

</sc_bundles>
